<compile_context>
chip_gen: v7x
topology: tpu7x:2x2x1
jax: 0.10.2.dev20260603
libtpu: 0.0.44.dev20260713+nightly
codegen_flags: <defaults>
</compile_context>

<pallas_src>
import functools

import jax
import jax.numpy as jnp
from jax import lax
from jax.experimental import pallas as pl
from jax.experimental.pallas import tpu as pltpu
from jax.experimental.pallas import tpu_sc as plsc

_B, _DIN, _DF, _C, _K = 16384, 512, 128, 1000, 100
_BLK = 1024
_CPAD = 1024
_NPAD = _CPAD + _B
_RBLK = 1024
_PADCLS = _C


def _row_stats(p):
    m = jnp.max(p, axis=1, keepdims=True)
    ex = jnp.exp(p - m)
    se = jnp.sum(ex, axis=1, keepdims=True)
    ent = (m + jnp.log(se)) - jnp.sum(p * ex, axis=1, keepdims=True) / se
    ii = lax.broadcasted_iota(jnp.int32, p.shape, 1)
    cls = jnp.min(jnp.where(p == m, ii, jnp.int32(2**30)), axis=1,
                  keepdims=True)
    return cls, ent


def _counts_of(cls, nrows):
    oh = (cls == lax.broadcasted_iota(jnp.int32, (nrows, _C), 1))
    return jnp.sum(oh.astype(jnp.int32), axis=0, keepdims=True)


def _feat_body(x_ref, wf_ref, bf_ref, wc_ref, bc_ref,
               z_ref, zn_ref, c_ref, e_ref, cnt_ref):
    z = jnp.dot(x_ref[...], wf_ref[...],
                preferred_element_type=jnp.float32) + bf_ref[...]
    z_ref[...] = z
    nrm = jnp.sqrt(jnp.sum(z * z, axis=1, keepdims=True))
    zn_ref[...] = z / jnp.maximum(nrm, 1e-12)
    p = lax.dot_general(z, wc_ref[...], (((1,), (1,)), ((), ())),
                        preferred_element_type=jnp.float32) + bc_ref[...]
    cls, ent = _row_stats(p)
    c_ref[...] = cls
    e_ref[...] = ent
    cnt_ref[...] = _counts_of(cls, _BLK)[None]


def _warm_body(wp_ref, wc_ref, bc_ref, wn_ref, c_ref, e_ref, cnt_ref):
    w = wp_ref[...]
    nrm = jnp.sqrt(jnp.sum(w * w, axis=1, keepdims=True))
    wn_ref[...] = w / jnp.maximum(nrm, 1e-12)
    p = lax.dot_general(w, wc_ref[...], (((1,), (1,)), ((), ())),
                        preferred_element_type=jnp.float32) + bc_ref[...]
    cls, ent = _row_stats(p)
    ridx = lax.broadcasted_iota(jnp.int32, (_CPAD, 1), 0)
    c_ref[...] = jnp.where(ridx < _C, cls, _PADCLS)
    e_ref[...] = ent
    cnt_ref[...] = _counts_of(c_ref[...], _CPAD)


def _rank_body(ci_ref, ei_ref, sup_ref, cr_ref, er_ref, out_ref):
    i = pl.program_id(0)
    ci = ci_ref[...]
    ei = ei_ref[...]
    i_idx = i * _RBLK + lax.broadcasted_iota(jnp.int32, (_RBLK, 1), 0)

    def body(j, cnt):
        cj = cr_ref[j]
        ej = er_ref[j]
        j_idx = j * _RBLK + lax.broadcasted_iota(jnp.int32, (1, _RBLK), 1)
        less = (ej < ei) | ((ej == ei) & (j_idx < i_idx))
        hit = (cj == ci) & less
        return cnt + jnp.sum(hit.astype(jnp.int32), axis=1, keepdims=True)

    cnt = lax.fori_loop(0, _NPAD // _RBLK, body,
                        jnp.zeros((_RBLK, 1), jnp.int32))
    out_ref[...] = sup_ref[...] * (cnt < _K).astype(jnp.float32)


_NACC = 1024


def _sc_scatter_body(wn_hbm, zn_hbm, cw_hbm, cb_hbm, zero_hbm, out_hbm,
                     rows_a, idx_a, rows_b, idx_b, shared):
    cid = lax.axis_index("c")
    sid = lax.axis_index("s")
    wid = sid * 2 + cid
    base_w = wid * (_CPAD // 32)
    base_z = wid * (_B // 32)

    @pl.when(sid == 0)
    def _():
        pltpu.sync_copy(zero_hbm, shared)

    plsc.subcore_barrier()
    pltpu.sync_copy(wn_hbm.at[pl.ds(base_w, _CPAD // 32), :], rows_b)
    pltpu.sync_copy(cw_hbm.at[pl.ds(base_w, _CPAD // 32)], idx_b)
    pltpu.sync_copy(rows_b, shared.at[idx_b], add=True)
    for k in range(_B // 32 // 128):
        pltpu.sync_copy(zn_hbm.at[pl.ds(base_z + k * 128, 128), :], rows_a)
        pltpu.sync_copy(cb_hbm.at[pl.ds(base_z + k * 128, 128)], idx_a)
        pltpu.sync_copy(rows_a, shared.at[idx_a], add=True)
    plsc.subcore_barrier()
    nrow = _NACC // 16
    pltpu.sync_copy(shared.at[pl.ds(sid * nrow, nrow), :],
                    out_hbm.at[cid, pl.ds(sid * nrow, nrow), :])


def _out_body(z_ref, w_ref, o_ref):
    w = w_ref[0] + w_ref[1]
    nrm = jnp.sqrt(jnp.sum(w * w, axis=1, keepdims=True))
    wn = w / jnp.maximum(nrm, 1e-12)
    res = lax.dot_general(z_ref[...], wn, (((1,), (1,)), ((), ())),
                          preferred_element_type=jnp.float32)
    o_ref[...] = res[:, :_C]


def kernel(x, W_feat, b_feat, W_cls, b_cls):
    bf2 = b_feat.reshape(1, _DF)
    bc2 = b_cls.reshape(1, _C)

    z, z_n, c_b, e_b, cnt_b = pl.pallas_call(
        _feat_body,
        grid=(_B // _BLK,),
        in_specs=[
            pl.BlockSpec((_BLK, _DIN), lambda i: (i, 0)),
            pl.BlockSpec((_DIN, _DF), lambda i: (0, 0)),
            pl.BlockSpec((1, _DF), lambda i: (0, 0)),
            pl.BlockSpec((_C, _DF), lambda i: (0, 0)),
            pl.BlockSpec((1, _C), lambda i: (0, 0)),
        ],
        out_specs=[
            pl.BlockSpec((_BLK, _DF), lambda i: (i, 0)),
            pl.BlockSpec((_BLK, _DF), lambda i: (i, 0)),
            pl.BlockSpec((_BLK, 1), lambda i: (i, 0)),
            pl.BlockSpec((_BLK, 1), lambda i: (i, 0)),
            pl.BlockSpec((1, 1, _C), lambda i: (i, 0, 0)),
        ],
        out_shape=[
            jax.ShapeDtypeStruct((_B, _DF), jnp.float32),
            jax.ShapeDtypeStruct((_B, _DF), jnp.float32),
            jax.ShapeDtypeStruct((_B, 1), jnp.int32),
            jax.ShapeDtypeStruct((_B, 1), jnp.float32),
            jax.ShapeDtypeStruct((_B // _BLK, 1, _C), jnp.int32),
        ],
        compiler_params=pltpu.CompilerParams(
            dimension_semantics=("parallel",)),
    )(x, W_feat, bf2, W_cls, bc2)

    Wp = jnp.concatenate(
        [W_cls, jnp.zeros((_CPAD - _C, _DF), jnp.float32)], axis=0)
    w_n, c_w, e_w, cnt_w = pl.pallas_call(
        _warm_body,
        out_shape=[
            jax.ShapeDtypeStruct((_CPAD, _DF), jnp.float32),
            jax.ShapeDtypeStruct((_CPAD, 1), jnp.int32),
            jax.ShapeDtypeStruct((_CPAD, 1), jnp.float32),
            jax.ShapeDtypeStruct((1, _C), jnp.int32),
        ],
    )(Wp, W_cls, bc2)

    maxc = jnp.max(jnp.sum(cnt_b[:, 0, :], axis=0) + cnt_w[0])

    def _rare(ops):
        wn, zn = ops
        c_all = jnp.concatenate([c_w, c_b], axis=0)
        e_all = jnp.concatenate([e_w, e_b], axis=0)
        sup = jnp.concatenate([wn, zn], axis=0)
        cr = c_all.reshape(_NPAD // _RBLK, 1, _RBLK)
        er = e_all.reshape(_NPAD // _RBLK, 1, _RBLK)
        fin = pl.pallas_call(
            _rank_body,
            grid=(_NPAD // _RBLK,),
            in_specs=[
                pl.BlockSpec((_RBLK, 1), lambda i: (i, 0)),
                pl.BlockSpec((_RBLK, 1), lambda i: (i, 0)),
                pl.BlockSpec((_RBLK, _DF), lambda i: (i, 0)),
                pl.BlockSpec((_NPAD // _RBLK, 1, _RBLK),
                             lambda i: (0, 0, 0)),
                pl.BlockSpec((_NPAD // _RBLK, 1, _RBLK),
                             lambda i: (0, 0, 0)),
            ],
            out_specs=pl.BlockSpec((_RBLK, _DF), lambda i: (i, 0)),
            out_shape=jax.ShapeDtypeStruct((_NPAD, _DF), jnp.float32),
        )(c_all, e_all, sup, cr, er)
        return fin[:_CPAD], fin[_CPAD:]

    wn_fin, zn_fin = lax.cond(maxc <= _K, lambda ops: ops, _rare, (w_n, z_n))

    sc_scatter = functools.partial(
        pl.kernel,
        mesh=plsc.VectorSubcoreMesh(core_axis_name="c", subcore_axis_name="s"),
        out_type=jax.ShapeDtypeStruct((2, _NACC, _DF), jnp.float32),
        scratch_types=[
            pltpu.VMEM((128, _DF), jnp.float32),
            pltpu.VMEM((128,), jnp.int32),
            pltpu.VMEM((_CPAD // 32, _DF), jnp.float32),
            pltpu.VMEM((_CPAD // 32,), jnp.int32),
            pltpu.VMEM_SHARED((_NACC, _DF), jnp.float32),
        ],
    )(_sc_scatter_body)
    w2 = sc_scatter(wn_fin, zn_fin, c_w.reshape(_CPAD), c_b.reshape(_B),
                    jnp.zeros((_NACC, _DF), jnp.float32))

    out = pl.pallas_call(
        _out_body,
        grid=(_B // _BLK,),
        in_specs=[
            pl.BlockSpec((_BLK, _DF), lambda i: (i, 0)),
            pl.BlockSpec((2, _NACC, _DF), lambda i: (0, 0, 0)),
        ],
        out_specs=pl.BlockSpec((_BLK, _C), lambda i: (i, 0)),
        out_shape=jax.ShapeDtypeStruct((_B, _C), jnp.float32),
        compiler_params=pltpu.CompilerParams(
            dimension_semantics=("parallel",)),
    )(z, w2)
    return out

# --- scband reference (transcript-rebuilt; emitter-appended) ---
"""Pipeline reference for scband-t3-a-9474697855065 (READ-ONLY COPY).

The authoritative reference and input builder live on the scoring server;
editing this copy changes nothing except your own understanding.
"""

import jax, jax.numpy as jnp
import numpy as np

B, D_IN, D_FEAT, C, FILTER_K = 16384, 512, 128, 1000, 100


def setup_inputs(seed: int = 0) -> dict:
    key = jax.random.key(seed)
    ks = jax.random.split(key, 4)
    x = jax.random.normal(ks[0], (B, D_IN), dtype=jnp.float32)
    W_feat = jax.random.normal(ks[1], (D_IN, D_FEAT), dtype=jnp.float32) * (1.0 / np.sqrt(D_IN))
    b_feat = jnp.zeros((D_FEAT,), jnp.float32)
    W_cls = jax.random.normal(ks[2], (C, D_FEAT), dtype=jnp.float32) * (1.0 / np.sqrt(D_FEAT))
    b_cls = jnp.zeros((C,), jnp.float32)
    return {"x": x, "W_feat": W_feat, "b_feat": b_feat, "W_cls": W_cls, "b_cls": b_cls}


def softmax_entropy(p):
    return -(jax.nn.softmax(p, axis=1) * jax.nn.log_softmax(p, axis=1)).sum(axis=1)


def reference(x, W_feat, b_feat, W_cls, b_cls):
    # warmup state built from classifier fc weight (as in T3A.__init__)
    warmup_supports = W_cls
    warmup_prob = warmup_supports @ W_cls.T + b_cls
    warmup_ent = softmax_entropy(warmup_prob)
    warmup_labels = jax.nn.one_hot(jnp.argmax(warmup_prob, axis=1), C, dtype=jnp.float32)
    # featurizer + classifier
    z = x @ W_feat + b_feat
    p = z @ W_cls.T + b_cls
    yhat = jax.nn.one_hot(jnp.argmax(p, axis=1), C, dtype=jnp.float32)
    ent = softmax_entropy(p)
    supports = jnp.concatenate([warmup_supports, z], axis=0)
    labels = jnp.concatenate([warmup_labels, yhat], axis=0)
    ent_all = jnp.concatenate([warmup_ent, ent], axis=0)
    # select_supports: keep up to FILTER_K lowest-entropy supports per class
    y_hat = jnp.argmax(labels, axis=1)
    order = jnp.lexsort((ent_all, y_hat))  # primary: class id, secondary: entropy asc
    sup_s = supports[order]
    lab_s = labels[order]
    y_s = y_hat[order]
    N = sup_s.shape[0]
    starts = jnp.searchsorted(y_s, jnp.arange(C))
    rank = jnp.arange(N) - starts[y_s]
    valid = (rank < FILTER_K).astype(jnp.float32)[:, None]
    # F.normalize(supports, dim=1) with eps=1e-12
    sup_n = sup_s / jnp.maximum(jnp.linalg.norm(sup_s, axis=1, keepdims=True), 1e-12)
    # masked rows contribute zero to supports.T @ labels, matching the filtered selection
    weights = (sup_n * valid).T @ lab_s
    w = weights / jnp.maximum(jnp.linalg.norm(weights, axis=0, keepdims=True), 1e-12)
    return z @ w

if __name__ == "__main__":
    import jax
    _d = setup_inputs()
    print(jax.jit(kernel)(*tuple(_d.values())))

</pallas_src>

<mosaic_0001>
#map = affine_map<(d0, d1) -> (0, 0)>
#map1 = affine_map<(d0, d1) -> (0)>
#map2 = affine_map<(d0, d1) -> (0, 0, 0)>
module attributes {stable_mosaic.version = 14 : i64} {
  func.func @_sc_scatter_body(%arg0: i32, %arg1: i32, %arg2: memref<1024x128xf32, #tpu.memory_space<hbm>>, %arg3: memref<16384x128xf32, #tpu.memory_space<hbm>>, %arg4: memref<1024xi32, #tpu.memory_space<hbm>>, %arg5: memref<16384xi32, #tpu.memory_space<hbm>>, %arg6: memref<1024x128xf32, #tpu.memory_space<hbm>>, %arg7: memref<2x1024x128xf32, #tpu.memory_space<hbm>>, %arg8: memref<128x128xf32, #tpu.memory_space<vmem>>, %arg9: memref<128xi32, #tpu.memory_space<vmem>>, %arg10: memref<32x128xf32, #tpu.memory_space<vmem>>, %arg11: memref<32xi32, #tpu.memory_space<vmem>>, %arg12: memref<1024x128xf32, #tpu.memory_space<vmem_shared>>) attributes {dimension_semantics = [#tpu.dimension_semantics<core_parallel>, #tpu.dimension_semantics<subcore_parallel>], iteration_bounds = array<i64: 2, 16>, scalar_prefetch = 0 : i64, scratch_operands = 5 : i64, tpu.core_type = #tpu.core_type<sc_vector_subcore>, window_params = [{transform_indices = #map}, {transform_indices = #map}, {transform_indices = #map1}, {transform_indices = #map1}, {transform_indices = #map}, {transform_indices = #map2}]} {
    %mul3A = arith.constant 2 : i32
    %mul3A_0 = arith.muli %arg1, %mul3A : i32
    %add3A = arith.addi %mul3A_0, %arg0 : i32
    %mul3A_1 = arith.constant 32 : i32
    %mul3A_2 = arith.muli %add3A, %mul3A_1 : i32
    %mul3A_3 = arith.constant 512 : i32
    %mul3A_4 = arith.muli %add3A, %mul3A_3 : i32
    %eq3A = arith.constant 0 : i32
    %eq3A_5 = arith.cmpi eq, %arg1, %eq3A : i32
    %convert_element_type3A = arith.extui %eq3A_5 : i1 to i32
    %cond3A = arith.constant 0 : i32
    %cond3A_6 = arith.cmpi ne, %convert_element_type3A, %cond3A : i32
    scf.if %cond3A_6 {
      "tpu.region"() ({
        %run_scoped3A = tpu.sem_alloc : memref<!tpu.dma_semaphore, #tpu.memory_space<semaphore_mem>>
        tpu.enqueue_dma source(%arg6 : memref<1024x128xf32, #tpu.memory_space<hbm>>) target(%arg12 : memref<1024x128xf32, #tpu.memory_space<vmem_shared>>) target_semaphore(%run_scoped3A : memref<!tpu.dma_semaphore, #tpu.memory_space<semaphore_mem>>)
        tpu.wait_dma2 semaphore(%run_scoped3A : memref<!tpu.dma_semaphore, #tpu.memory_space<semaphore_mem>>) src(%arg6 : memref<1024x128xf32, #tpu.memory_space<hbm>>) dst(%arg12 : memref<1024x128xf32, #tpu.memory_space<vmem_shared>>)
        tpu.yield
      }) : () -> ()
    } else {
    }
    %barrier3A = arith.constant 0 : index
    tpu.barrier barrier_id(%barrier3A)
    "tpu.region"() ({
      %run_scoped3A = tpu.sem_alloc : memref<!tpu.dma_semaphore, #tpu.memory_space<semaphore_mem>>
      %dma_start3A = arith.constant 0 : i32
      %dma_start3A_28 = tpu.memref_slice %arg2[%mul3A_2, %dma_start3A] : memref<1024x128xf32, #tpu.memory_space<hbm>> -> memref<32x128xf32, #tpu.memory_space<hbm>>
      %dma_start3A_29 = arith.constant 0 : i32
      %dma_start3A_30 = tpu.memref_slice %arg2[%mul3A_2, %dma_start3A_29] : memref<1024x128xf32, #tpu.memory_space<hbm>> -> memref<32x128xf32, #tpu.memory_space<hbm>>
      tpu.enqueue_dma source(%dma_start3A_30 : memref<32x128xf32, #tpu.memory_space<hbm>>) target(%arg10 : memref<32x128xf32, #tpu.memory_space<vmem>>) target_semaphore(%run_scoped3A : memref<!tpu.dma_semaphore, #tpu.memory_space<semaphore_mem>>)
      %dma_wait3A = arith.constant 0 : i32
      %dma_wait3A_31 = tpu.memref_slice %arg2[%mul3A_2, %dma_wait3A] : memref<1024x128xf32, #tpu.memory_space<hbm>> -> memref<32x128xf32, #tpu.memory_space<hbm>>
      %dma_wait3A_32 = arith.constant 0 : i32
      %dma_wait3A_33 = tpu.memref_slice %arg2[%mul3A_2, %dma_wait3A_32] : memref<1024x128xf32, #tpu.memory_space<hbm>> -> memref<32x128xf32, #tpu.memory_space<hbm>>
      tpu.wait_dma2 semaphore(%run_scoped3A : memref<!tpu.dma_semaphore, #tpu.memory_space<semaphore_mem>>) src(%dma_wait3A_33 : memref<32x128xf32, #tpu.memory_space<hbm>>) dst(%arg10 : memref<32x128xf32, #tpu.memory_space<vmem>>)
      tpu.yield
    }) : () -> ()
    "tpu.region"() ({
      %run_scoped3A = tpu.sem_alloc : memref<!tpu.dma_semaphore, #tpu.memory_space<semaphore_mem>>
      %dma_start3A = tpu.memref_slice %arg4[%mul3A_2] : memref<1024xi32, #tpu.memory_space<hbm>> -> memref<32xi32, #tpu.memory_space<hbm>>
      %dma_start3A_28 = tpu.memref_slice %arg4[%mul3A_2] : memref<1024xi32, #tpu.memory_space<hbm>> -> memref<32xi32, #tpu.memory_space<hbm>>
      tpu.enqueue_dma source(%dma_start3A_28 : memref<32xi32, #tpu.memory_space<hbm>>) target(%arg11 : memref<32xi32, #tpu.memory_space<vmem>>) target_semaphore(%run_scoped3A : memref<!tpu.dma_semaphore, #tpu.memory_space<semaphore_mem>>)
      %dma_wait3A = tpu.memref_slice %arg4[%mul3A_2] : memref<1024xi32, #tpu.memory_space<hbm>> -> memref<32xi32, #tpu.memory_space<hbm>>
      %dma_wait3A_29 = tpu.memref_slice %arg4[%mul3A_2] : memref<1024xi32, #tpu.memory_space<hbm>> -> memref<32xi32, #tpu.memory_space<hbm>>
      tpu.wait_dma2 semaphore(%run_scoped3A : memref<!tpu.dma_semaphore, #tpu.memory_space<semaphore_mem>>) src(%dma_wait3A_29 : memref<32xi32, #tpu.memory_space<hbm>>) dst(%arg11 : memref<32xi32, #tpu.memory_space<vmem>>)
      tpu.yield
    }) : () -> ()
    "tpu.region"() ({
      %run_scoped3A = tpu.sem_alloc : memref<!tpu.dma_semaphore, #tpu.memory_space<semaphore_mem>>
      %dma_start3A = arith.constant 0 : i32
      %dma_start3A_28 = arith.constant 0 : i32
      %dma_start3A_29 = tpu.memref_slice %arg12[%dma_start3A, %dma_start3A_28] : memref<1024x128xf32, #tpu.memory_space<vmem_shared>> -> memref<1024x128xf32, #tpu.memory_space<vmem_shared>>
      tpu.enqueue_indirect_dma source(%arg10 : memref<32x128xf32, #tpu.memory_space<vmem>>) target(%dma_start3A_29 : memref<1024x128xf32, #tpu.memory_space<vmem_shared>>) offsets(%arg11 : memref<32xi32, #tpu.memory_space<vmem>>) semaphore(%run_scoped3A : memref<!tpu.dma_semaphore, #tpu.memory_space<semaphore_mem>>) {add = true}
      %dma_wait3A = arith.constant 0 : i32
      %dma_wait3A_30 = arith.constant 0 : i32
      %dma_wait3A_31 = tpu.memref_slice %arg12[%dma_wait3A, %dma_wait3A_30] : memref<1024x128xf32, #tpu.memory_space<vmem_shared>> -> memref<1024x128xf32, #tpu.memory_space<vmem_shared>>
      tpu.wait_indirect_dma semaphore(%run_scoped3A : memref<!tpu.dma_semaphore, #tpu.memory_space<semaphore_mem>>) src(%arg10 : memref<32x128xf32, #tpu.memory_space<vmem>>) dst(%dma_wait3A_31 : memref<1024x128xf32, #tpu.memory_space<vmem_shared>>)
      tpu.yield
    }) : () -> ()
    %add3A_7 = arith.constant 0 : i32
    %add3A_8 = arith.addi %mul3A_4, %add3A_7 : i32
    "tpu.region"() ({
      %run_scoped3A = tpu.sem_alloc : memref<!tpu.dma_semaphore, #tpu.memory_space<semaphore_mem>>
      %dma_start3A = arith.constant 0 : i32
      %dma_start3A_28 = tpu.memref_slice %arg3[%add3A_8, %dma_start3A] : memref<16384x128xf32, #tpu.memory_space<hbm>> -> memref<128x128xf32, #tpu.memory_space<hbm>>
      %dma_start3A_29 = arith.constant 0 : i32
      %dma_start3A_30 = tpu.memref_slice %arg3[%add3A_8, %dma_start3A_29] : memref<16384x128xf32, #tpu.memory_space<hbm>> -> memref<128x128xf32, #tpu.memory_space<hbm>>
      tpu.enqueue_dma source(%dma_start3A_30 : memref<128x128xf32, #tpu.memory_space<hbm>>) target(%arg8 : memref<128x128xf32, #tpu.memory_space<vmem>>) target_semaphore(%run_scoped3A : memref<!tpu.dma_semaphore, #tpu.memory_space<semaphore_mem>>)
      %dma_wait3A = arith.constant 0 : i32
      %dma_wait3A_31 = tpu.memref_slice %arg3[%add3A_8, %dma_wait3A] : memref<16384x128xf32, #tpu.memory_space<hbm>> -> memref<128x128xf32, #tpu.memory_space<hbm>>
      %dma_wait3A_32 = arith.constant 0 : i32
      %dma_wait3A_33 = tpu.memref_slice %arg3[%add3A_8, %dma_wait3A_32] : memref<16384x128xf32, #tpu.memory_space<hbm>> -> memref<128x128xf32, #tpu.memory_space<hbm>>
      tpu.wait_dma2 semaphore(%run_scoped3A : memref<!tpu.dma_semaphore, #tpu.memory_space<semaphore_mem>>) src(%dma_wait3A_33 : memref<128x128xf32, #tpu.memory_space<hbm>>) dst(%arg8 : memref<128x128xf32, #tpu.memory_space<vmem>>)
      tpu.yield
    }) : () -> ()
    %add3A_9 = arith.constant 0 : i32
    %add3A_10 = arith.addi %mul3A_4, %add3A_9 : i32
    "tpu.region"() ({
      %run_scoped3A = tpu.sem_alloc : memref<!tpu.dma_semaphore, #tpu.memory_space<semaphore_mem>>
      %dma_start3A = tpu.memref_slice %arg5[%add3A_10] : memref<16384xi32, #tpu.memory_space<hbm>> -> memref<128xi32, #tpu.memory_space<hbm>>
      %dma_start3A_28 = tpu.memref_slice %arg5[%add3A_10] : memref<16384xi32, #tpu.memory_space<hbm>> -> memref<128xi32, #tpu.memory_space<hbm>>
      tpu.enqueue_dma source(%dma_start3A_28 : memref<128xi32, #tpu.memory_space<hbm>>) target(%arg9 : memref<128xi32, #tpu.memory_space<vmem>>) target_semaphore(%run_scoped3A : memref<!tpu.dma_semaphore, #tpu.memory_space<semaphore_mem>>)
      %dma_wait3A = tpu.memref_slice %arg5[%add3A_10] : memref<16384xi32, #tpu.memory_space<hbm>> -> memref<128xi32, #tpu.memory_space<hbm>>
      %dma_wait3A_29 = tpu.memref_slice %arg5[%add3A_10] : memref<16384xi32, #tpu.memory_space<hbm>> -> memref<128xi32, #tpu.memory_space<hbm>>
      tpu.wait_dma2 semaphore(%run_scoped3A : memref<!tpu.dma_semaphore, #tpu.memory_space<semaphore_mem>>) src(%dma_wait3A_29 : memref<128xi32, #tpu.memory_space<hbm>>) dst(%arg9 : memref<128xi32, #tpu.memory_space<vmem>>)
      tpu.yield
    }) : () -> ()
    "tpu.region"() ({
      %run_scoped3A = tpu.sem_alloc : memref<!tpu.dma_semaphore, #tpu.memory_space<semaphore_mem>>
      %dma_start3A = arith.constant 0 : i32
      %dma_start3A_28 = arith.constant 0 : i32
      %dma_start3A_29 = tpu.memref_slice %arg12[%dma_start3A, %dma_start3A_28] : memref<1024x128xf32, #tpu.memory_space<vmem_shared>> -> memref<1024x128xf32, #tpu.memory_space<vmem_shared>>
      tpu.enqueue_indirect_dma source(%arg8 : memref<128x128xf32, #tpu.memory_space<vmem>>) target(%dma_start3A_29 : memref<1024x128xf32, #tpu.memory_space<vmem_shared>>) offsets(%arg9 : memref<128xi32, #tpu.memory_space<vmem>>) semaphore(%run_scoped3A : memref<!tpu.dma_semaphore, #tpu.memory_space<semaphore_mem>>) {add = true}
      %dma_wait3A = arith.constant 0 : i32
      %dma_wait3A_30 = arith.constant 0 : i32
      %dma_wait3A_31 = tpu.memref_slice %arg12[%dma_wait3A, %dma_wait3A_30] : memref<1024x128xf32, #tpu.memory_space<vmem_shared>> -> memref<1024x128xf32, #tpu.memory_space<vmem_shared>>
      tpu.wait_indirect_dma semaphore(%run_scoped3A : memref<!tpu.dma_semaphore, #tpu.memory_space<semaphore_mem>>) src(%arg8 : memref<128x128xf32, #tpu.memory_space<vmem>>) dst(%dma_wait3A_31 : memref<1024x128xf32, #tpu.memory_space<vmem_shared>>)
      tpu.yield
    }) : () -> ()
    %add3A_11 = arith.constant 128 : i32
    %add3A_12 = arith.addi %mul3A_4, %add3A_11 : i32
    "tpu.region"() ({
      %run_scoped3A = tpu.sem_alloc : memref<!tpu.dma_semaphore, #tpu.memory_space<semaphore_mem>>
      %dma_start3A = arith.constant 0 : i32
      %dma_start3A_28 = tpu.memref_slice %arg3[%add3A_12, %dma_start3A] : memref<16384x128xf32, #tpu.memory_space<hbm>> -> memref<128x128xf32, #tpu.memory_space<hbm>>
      %dma_start3A_29 = arith.constant 0 : i32
      %dma_start3A_30 = tpu.memref_slice %arg3[%add3A_12, %dma_start3A_29] : memref<16384x128xf32, #tpu.memory_space<hbm>> -> memref<128x128xf32, #tpu.memory_space<hbm>>
      tpu.enqueue_dma source(%dma_start3A_30 : memref<128x128xf32, #tpu.memory_space<hbm>>) target(%arg8 : memref<128x128xf32, #tpu.memory_space<vmem>>) target_semaphore(%run_scoped3A : memref<!tpu.dma_semaphore, #tpu.memory_space<semaphore_mem>>)
      %dma_wait3A = arith.constant 0 : i32
      %dma_wait3A_31 = tpu.memref_slice %arg3[%add3A_12, %dma_wait3A] : memref<16384x128xf32, #tpu.memory_space<hbm>> -> memref<128x128xf32, #tpu.memory_space<hbm>>
      %dma_wait3A_32 = arith.constant 0 : i32
      %dma_wait3A_33 = tpu.memref_slice %arg3[%add3A_12, %dma_wait3A_32] : memref<16384x128xf32, #tpu.memory_space<hbm>> -> memref<128x128xf32, #tpu.memory_space<hbm>>
      tpu.wait_dma2 semaphore(%run_scoped3A : memref<!tpu.dma_semaphore, #tpu.memory_space<semaphore_mem>>) src(%dma_wait3A_33 : memref<128x128xf32, #tpu.memory_space<hbm>>) dst(%arg8 : memref<128x128xf32, #tpu.memory_space<vmem>>)
      tpu.yield
    }) : () -> ()
    %add3A_13 = arith.constant 128 : i32
    %add3A_14 = arith.addi %mul3A_4, %add3A_13 : i32
    "tpu.region"() ({
      %run_scoped3A = tpu.sem_alloc : memref<!tpu.dma_semaphore, #tpu.memory_space<semaphore_mem>>
      %dma_start3A = tpu.memref_slice %arg5[%add3A_14] : memref<16384xi32, #tpu.memory_space<hbm>> -> memref<128xi32, #tpu.memory_space<hbm>>
      %dma_start3A_28 = tpu.memref_slice %arg5[%add3A_14] : memref<16384xi32, #tpu.memory_space<hbm>> -> memref<128xi32, #tpu.memory_space<hbm>>
      tpu.enqueue_dma source(%dma_start3A_28 : memref<128xi32, #tpu.memory_space<hbm>>) target(%arg9 : memref<128xi32, #tpu.memory_space<vmem>>) target_semaphore(%run_scoped3A : memref<!tpu.dma_semaphore, #tpu.memory_space<semaphore_mem>>)
      %dma_wait3A = tpu.memref_slice %arg5[%add3A_14] : memref<16384xi32, #tpu.memory_space<hbm>> -> memref<128xi32, #tpu.memory_space<hbm>>
      %dma_wait3A_29 = tpu.memref_slice %arg5[%add3A_14] : memref<16384xi32, #tpu.memory_space<hbm>> -> memref<128xi32, #tpu.memory_space<hbm>>
      tpu.wait_dma2 semaphore(%run_scoped3A : memref<!tpu.dma_semaphore, #tpu.memory_space<semaphore_mem>>) src(%dma_wait3A_29 : memref<128xi32, #tpu.memory_space<hbm>>) dst(%arg9 : memref<128xi32, #tpu.memory_space<vmem>>)
      tpu.yield
    }) : () -> ()
    "tpu.region"() ({
      %run_scoped3A = tpu.sem_alloc : memref<!tpu.dma_semaphore, #tpu.memory_space<semaphore_mem>>
      %dma_start3A = arith.constant 0 : i32
      %dma_start3A_28 = arith.constant 0 : i32
      %dma_start3A_29 = tpu.memref_slice %arg12[%dma_start3A, %dma_start3A_28] : memref<1024x128xf32, #tpu.memory_space<vmem_shared>> -> memref<1024x128xf32, #tpu.memory_space<vmem_shared>>
      tpu.enqueue_indirect_dma source(%arg8 : memref<128x128xf32, #tpu.memory_space<vmem>>) target(%dma_start3A_29 : memref<1024x128xf32, #tpu.memory_space<vmem_shared>>) offsets(%arg9 : memref<128xi32, #tpu.memory_space<vmem>>) semaphore(%run_scoped3A : memref<!tpu.dma_semaphore, #tpu.memory_space<semaphore_mem>>) {add = true}
      %dma_wait3A = arith.constant 0 : i32
      %dma_wait3A_30 = arith.constant 0 : i32
      %dma_wait3A_31 = tpu.memref_slice %arg12[%dma_wait3A, %dma_wait3A_30] : memref<1024x128xf32, #tpu.memory_space<vmem_shared>> -> memref<1024x128xf32, #tpu.memory_space<vmem_shared>>
      tpu.wait_indirect_dma semaphore(%run_scoped3A : memref<!tpu.dma_semaphore, #tpu.memory_space<semaphore_mem>>) src(%arg8 : memref<128x128xf32, #tpu.memory_space<vmem>>) dst(%dma_wait3A_31 : memref<1024x128xf32, #tpu.memory_space<vmem_shared>>)
      tpu.yield
    }) : () -> ()
    %add3A_15 = arith.constant 256 : i32
    %add3A_16 = arith.addi %mul3A_4, %add3A_15 : i32
    "tpu.region"() ({
      %run_scoped3A = tpu.sem_alloc : memref<!tpu.dma_semaphore, #tpu.memory_space<semaphore_mem>>
      %dma_start3A = arith.constant 0 : i32
      %dma_start3A_28 = tpu.memref_slice %arg3[%add3A_16, %dma_start3A] : memref<16384x128xf32, #tpu.memory_space<hbm>> -> memref<128x128xf32, #tpu.memory_space<hbm>>
      %dma_start3A_29 = arith.constant 0 : i32
      %dma_start3A_30 = tpu.memref_slice %arg3[%add3A_16, %dma_start3A_29] : memref<16384x128xf32, #tpu.memory_space<hbm>> -> memref<128x128xf32, #tpu.memory_space<hbm>>
      tpu.enqueue_dma source(%dma_start3A_30 : memref<128x128xf32, #tpu.memory_space<hbm>>) target(%arg8 : memref<128x128xf32, #tpu.memory_space<vmem>>) target_semaphore(%run_scoped3A : memref<!tpu.dma_semaphore, #tpu.memory_space<semaphore_mem>>)
      %dma_wait3A = arith.constant 0 : i32
      %dma_wait3A_31 = tpu.memref_slice %arg3[%add3A_16, %dma_wait3A] : memref<16384x128xf32, #tpu.memory_space<hbm>> -> memref<128x128xf32, #tpu.memory_space<hbm>>
      %dma_wait3A_32 = arith.constant 0 : i32
      %dma_wait3A_33 = tpu.memref_slice %arg3[%add3A_16, %dma_wait3A_32] : memref<16384x128xf32, #tpu.memory_space<hbm>> -> memref<128x128xf32, #tpu.memory_space<hbm>>
      tpu.wait_dma2 semaphore(%run_scoped3A : memref<!tpu.dma_semaphore, #tpu.memory_space<semaphore_mem>>) src(%dma_wait3A_33 : memref<128x128xf32, #tpu.memory_space<hbm>>) dst(%arg8 : memref<128x128xf32, #tpu.memory_space<vmem>>)
      tpu.yield
    }) : () -> ()
    %add3A_17 = arith.constant 256 : i32
    %add3A_18 = arith.addi %mul3A_4, %add3A_17 : i32
    "tpu.region"() ({
      %run_scoped3A = tpu.sem_alloc : memref<!tpu.dma_semaphore, #tpu.memory_space<semaphore_mem>>
      %dma_start3A = tpu.memref_slice %arg5[%add3A_18] : memref<16384xi32, #tpu.memory_space<hbm>> -> memref<128xi32, #tpu.memory_space<hbm>>
      %dma_start3A_28 = tpu.memref_slice %arg5[%add3A_18] : memref<16384xi32, #tpu.memory_space<hbm>> -> memref<128xi32, #tpu.memory_space<hbm>>
      tpu.enqueue_dma source(%dma_start3A_28 : memref<128xi32, #tpu.memory_space<hbm>>) target(%arg9 : memref<128xi32, #tpu.memory_space<vmem>>) target_semaphore(%run_scoped3A : memref<!tpu.dma_semaphore, #tpu.memory_space<semaphore_mem>>)
      %dma_wait3A = tpu.memref_slice %arg5[%add3A_18] : memref<16384xi32, #tpu.memory_space<hbm>> -> memref<128xi32, #tpu.memory_space<hbm>>
      %dma_wait3A_29 = tpu.memref_slice %arg5[%add3A_18] : memref<16384xi32, #tpu.memory_space<hbm>> -> memref<128xi32, #tpu.memory_space<hbm>>
      tpu.wait_dma2 semaphore(%run_scoped3A : memref<!tpu.dma_semaphore, #tpu.memory_space<semaphore_mem>>) src(%dma_wait3A_29 : memref<128xi32, #tpu.memory_space<hbm>>) dst(%arg9 : memref<128xi32, #tpu.memory_space<vmem>>)
      tpu.yield
    }) : () -> ()
    "tpu.region"() ({
      %run_scoped3A = tpu.sem_alloc : memref<!tpu.dma_semaphore, #tpu.memory_space<semaphore_mem>>
      %dma_start3A = arith.constant 0 : i32
      %dma_start3A_28 = arith.constant 0 : i32
      %dma_start3A_29 = tpu.memref_slice %arg12[%dma_start3A, %dma_start3A_28] : memref<1024x128xf32, #tpu.memory_space<vmem_shared>> -> memref<1024x128xf32, #tpu.memory_space<vmem_shared>>
      tpu.enqueue_indirect_dma source(%arg8 : memref<128x128xf32, #tpu.memory_space<vmem>>) target(%dma_start3A_29 : memref<1024x128xf32, #tpu.memory_space<vmem_shared>>) offsets(%arg9 : memref<128xi32, #tpu.memory_space<vmem>>) semaphore(%run_scoped3A : memref<!tpu.dma_semaphore, #tpu.memory_space<semaphore_mem>>) {add = true}
      %dma_wait3A = arith.constant 0 : i32
      %dma_wait3A_30 = arith.constant 0 : i32
      %dma_wait3A_31 = tpu.memref_slice %arg12[%dma_wait3A, %dma_wait3A_30] : memref<1024x128xf32, #tpu.memory_space<vmem_shared>> -> memref<1024x128xf32, #tpu.memory_space<vmem_shared>>
      tpu.wait_indirect_dma semaphore(%run_scoped3A : memref<!tpu.dma_semaphore, #tpu.memory_space<semaphore_mem>>) src(%arg8 : memref<128x128xf32, #tpu.memory_space<vmem>>) dst(%dma_wait3A_31 : memref<1024x128xf32, #tpu.memory_space<vmem_shared>>)
      tpu.yield
    }) : () -> ()
    %add3A_19 = arith.constant 384 : i32
    %add3A_20 = arith.addi %mul3A_4, %add3A_19 : i32
    "tpu.region"() ({
      %run_scoped3A = tpu.sem_alloc : memref<!tpu.dma_semaphore, #tpu.memory_space<semaphore_mem>>
      %dma_start3A = arith.constant 0 : i32
      %dma_start3A_28 = tpu.memref_slice %arg3[%add3A_20, %dma_start3A] : memref<16384x128xf32, #tpu.memory_space<hbm>> -> memref<128x128xf32, #tpu.memory_space<hbm>>
      %dma_start3A_29 = arith.constant 0 : i32
      %dma_start3A_30 = tpu.memref_slice %arg3[%add3A_20, %dma_start3A_29] : memref<16384x128xf32, #tpu.memory_space<hbm>> -> memref<128x128xf32, #tpu.memory_space<hbm>>
      tpu.enqueue_dma source(%dma_start3A_30 : memref<128x128xf32, #tpu.memory_space<hbm>>) target(%arg8 : memref<128x128xf32, #tpu.memory_space<vmem>>) target_semaphore(%run_scoped3A : memref<!tpu.dma_semaphore, #tpu.memory_space<semaphore_mem>>)
      %dma_wait3A = arith.constant 0 : i32
      %dma_wait3A_31 = tpu.memref_slice %arg3[%add3A_20, %dma_wait3A] : memref<16384x128xf32, #tpu.memory_space<hbm>> -> memref<128x128xf32, #tpu.memory_space<hbm>>
      %dma_wait3A_32 = arith.constant 0 : i32
      %dma_wait3A_33 = tpu.memref_slice %arg3[%add3A_20, %dma_wait3A_32] : memref<16384x128xf32, #tpu.memory_space<hbm>> -> memref<128x128xf32, #tpu.memory_space<hbm>>
      tpu.wait_dma2 semaphore(%run_scoped3A : memref<!tpu.dma_semaphore, #tpu.memory_space<semaphore_mem>>) src(%dma_wait3A_33 : memref<128x128xf32, #tpu.memory_space<hbm>>) dst(%arg8 : memref<128x128xf32, #tpu.memory_space<vmem>>)
      tpu.yield
    }) : () -> ()
    %add3A_21 = arith.constant 384 : i32
    %add3A_22 = arith.addi %mul3A_4, %add3A_21 : i32
    "tpu.region"() ({
      %run_scoped3A = tpu.sem_alloc : memref<!tpu.dma_semaphore, #tpu.memory_space<semaphore_mem>>
      %dma_start3A = tpu.memref_slice %arg5[%add3A_22] : memref<16384xi32, #tpu.memory_space<hbm>> -> memref<128xi32, #tpu.memory_space<hbm>>
      %dma_start3A_28 = tpu.memref_slice %arg5[%add3A_22] : memref<16384xi32, #tpu.memory_space<hbm>> -> memref<128xi32, #tpu.memory_space<hbm>>
      tpu.enqueue_dma source(%dma_start3A_28 : memref<128xi32, #tpu.memory_space<hbm>>) target(%arg9 : memref<128xi32, #tpu.memory_space<vmem>>) target_semaphore(%run_scoped3A : memref<!tpu.dma_semaphore, #tpu.memory_space<semaphore_mem>>)
      %dma_wait3A = tpu.memref_slice %arg5[%add3A_22] : memref<16384xi32, #tpu.memory_space<hbm>> -> memref<128xi32, #tpu.memory_space<hbm>>
      %dma_wait3A_29 = tpu.memref_slice %arg5[%add3A_22] : memref<16384xi32, #tpu.memory_space<hbm>> -> memref<128xi32, #tpu.memory_space<hbm>>
      tpu.wait_dma2 semaphore(%run_scoped3A : memref<!tpu.dma_semaphore, #tpu.memory_space<semaphore_mem>>) src(%dma_wait3A_29 : memref<128xi32, #tpu.memory_space<hbm>>) dst(%arg9 : memref<128xi32, #tpu.memory_space<vmem>>)
      tpu.yield
    }) : () -> ()
    "tpu.region"() ({
      %run_scoped3A = tpu.sem_alloc : memref<!tpu.dma_semaphore, #tpu.memory_space<semaphore_mem>>
      %dma_start3A = arith.constant 0 : i32
      %dma_start3A_28 = arith.constant 0 : i32
      %dma_start3A_29 = tpu.memref_slice %arg12[%dma_start3A, %dma_start3A_28] : memref<1024x128xf32, #tpu.memory_space<vmem_shared>> -> memref<1024x128xf32, #tpu.memory_space<vmem_shared>>
      tpu.enqueue_indirect_dma source(%arg8 : memref<128x128xf32, #tpu.memory_space<vmem>>) target(%dma_start3A_29 : memref<1024x128xf32, #tpu.memory_space<vmem_shared>>) offsets(%arg9 : memref<128xi32, #tpu.memory_space<vmem>>) semaphore(%run_scoped3A : memref<!tpu.dma_semaphore, #tpu.memory_space<semaphore_mem>>) {add = true}
      %dma_wait3A = arith.constant 0 : i32
      %dma_wait3A_30 = arith.constant 0 : i32
      %dma_wait3A_31 = tpu.memref_slice %arg12[%dma_wait3A, %dma_wait3A_30] : memref<1024x128xf32, #tpu.memory_space<vmem_shared>> -> memref<1024x128xf32, #tpu.memory_space<vmem_shared>>
      tpu.wait_indirect_dma semaphore(%run_scoped3A : memref<!tpu.dma_semaphore, #tpu.memory_space<semaphore_mem>>) src(%arg8 : memref<128x128xf32, #tpu.memory_space<vmem>>) dst(%dma_wait3A_31 : memref<1024x128xf32, #tpu.memory_space<vmem_shared>>)
      tpu.yield
    }) : () -> ()
    %barrier3A_23 = arith.constant 0 : index
    tpu.barrier barrier_id(%barrier3A_23)
    %mul3A_24 = arith.constant 64 : i32
    %mul3A_25 = arith.muli %arg1, %mul3A_24 : i32
    %mul3A_26 = arith.constant 64 : i32
    %mul3A_27 = arith.muli %arg1, %mul3A_26 : i32
    "tpu.region"() ({
      %run_scoped3A = tpu.sem_alloc : memref<!tpu.dma_semaphore, #tpu.memory_space<semaphore_mem>>
      %dma_start3A = arith.constant 0 : i32
      %dma_start3A_28 = tpu.memref_slice %arg7[%arg0, %mul3A_27, %dma_start3A] : memref<2x1024x128xf32, #tpu.memory_space<hbm>> -> memref<1x64x128xf32, #tpu.memory_space<hbm>>
      %dma_start3A_29 = tpu.memref_squeeze %dma_start3A_28 : memref<1x64x128xf32, #tpu.memory_space<hbm>> -> memref<64x128xf32, #tpu.memory_space<hbm>>
      %dma_start3A_30 = arith.constant 0 : i32
      %dma_start3A_31 = tpu.memref_slice %arg12[%mul3A_25, %dma_start3A_30] : memref<1024x128xf32, #tpu.memory_space<vmem_shared>> -> memref<64x128xf32, #tpu.memory_space<vmem_shared>>
      tpu.enqueue_dma source(%dma_start3A_31 : memref<64x128xf32, #tpu.memory_space<vmem_shared>>) target(%dma_start3A_29 : memref<64x128xf32, #tpu.memory_space<hbm>>) target_semaphore(%run_scoped3A : memref<!tpu.dma_semaphore, #tpu.memory_space<semaphore_mem>>)
      %dma_wait3A = arith.constant 0 : i32
      %dma_wait3A_32 = tpu.memref_slice %arg7[%arg0, %mul3A_27, %dma_wait3A] : memref<2x1024x128xf32, #tpu.memory_space<hbm>> -> memref<1x64x128xf32, #tpu.memory_space<hbm>>
      %dma_wait3A_33 = tpu.memref_squeeze %dma_wait3A_32 : memref<1x64x128xf32, #tpu.memory_space<hbm>> -> memref<64x128xf32, #tpu.memory_space<hbm>>
      %dma_wait3A_34 = arith.constant 0 : i32
      %dma_wait3A_35 = tpu.memref_slice %arg12[%mul3A_25, %dma_wait3A_34] : memref<1024x128xf32, #tpu.memory_space<vmem_shared>> -> memref<64x128xf32, #tpu.memory_space<vmem_shared>>
      tpu.wait_dma2 semaphore(%run_scoped3A : memref<!tpu.dma_semaphore, #tpu.memory_space<semaphore_mem>>) src(%dma_wait3A_35 : memref<64x128xf32, #tpu.memory_space<vmem_shared>>) dst(%dma_wait3A_33 : memref<64x128xf32, #tpu.memory_space<hbm>>)
      tpu.yield
    }) : () -> ()
    return
  }
}

module attributes {stable_mosaic.version = 14 : i64} {
  func.func @_feat_body(%arg0: i32, %arg1: memref<1024x512xf32, #tpu.memory_space<vmem>>, %arg2: memref<512x128xf32, #tpu.memory_space<vmem>>, %arg3: memref<1x128xf32, #tpu.memory_space<vmem>>, %arg4: memref<1000x128xf32, #tpu.memory_space<vmem>>, %arg5: memref<1x1000xf32, #tpu.memory_space<vmem>>, %arg6: memref<1024x128xf32, #tpu.memory_space<vmem>>, %arg7: memref<1024x128xf32, #tpu.memory_space<vmem>>, %arg8: memref<1024x1xi32, #tpu.memory_space<vmem>>, %arg9: memref<1024x1xf32, #tpu.memory_space<vmem>>, %arg10: memref<1x1x1000xi32, #tpu.memory_space<vmem>>) attributes {dimension_semantics = [#tpu.dimension_semantics<parallel>], iteration_bounds = array<i64: 16>, scalar_prefetch = 0 : i64, scratch_operands = 0 : i64, tpu.core_type = #tpu.core_type<tc>, window_params = [{transform_indices = @transform_0, window_bounds = array<i64: 1024, 512>}, {pipeline_mode = #tpu.pipeline_mode<synchronous>, transform_indices = @transform_1, window_bounds = array<i64: 512, 128>}, {pipeline_mode = #tpu.pipeline_mode<synchronous>, transform_indices = @transform_2, window_bounds = array<i64: 1, 128>}, {pipeline_mode = #tpu.pipeline_mode<synchronous>, transform_indices = @transform_3, window_bounds = array<i64: 1000, 128>}, {pipeline_mode = #tpu.pipeline_mode<synchronous>, transform_indices = @transform_4, window_bounds = array<i64: 1, 1000>}, {transform_indices = @transform_5, window_bounds = array<i64: 1024, 128>}, {transform_indices = @transform_6, window_bounds = array<i64: 1024, 128>}, {transform_indices = @transform_7, window_bounds = array<i64: 1024, 1>}, {transform_indices = @transform_8, window_bounds = array<i64: 1024, 1>}, {transform_indices = @transform_9, window_bounds = array<i64: 1, 1, 1000>}]} {
    %get3A = arith.constant 0 : index
    %get3A_0 = arith.constant 0 : index
    %get3A_1 = vector.load %arg1[%get3A, %get3A_0] : memref<1024x512xf32, #tpu.memory_space<vmem>>, vector<1024x512xf32>
    %get3A_2 = arith.constant 0 : index
    %get3A_3 = arith.constant 0 : index
    %get3A_4 = vector.load %arg2[%get3A_2, %get3A_3] : memref<512x128xf32, #tpu.memory_space<vmem>>, vector<512x128xf32>
    %dot_general3A = arith.constant dense<0.000000e+00> : vector<1024x128xf32>
    %dot_general3A_5 = tpu.matmul %get3A_1, %get3A_4, %dot_general3A {dimension_numbers = #tpu.dot_dimension_numbers<[1], [0], [0], [1], [0, 0, 1, 1], [], []>, transpose_lhs_hint = false} : vector<1024x512xf32>, vector<512x128xf32>, vector<1024x128xf32> -> vector<1024x128xf32>
    %get3A_6 = arith.constant 0 : index
    %get3A_7 = arith.constant 0 : index
    %get3A_8 = vector.load %arg3[%get3A_6, %get3A_7] : memref<1x128xf32, #tpu.memory_space<vmem>>, vector<1x128xf32>
    %add3A = vector.broadcast %get3A_8 : vector<1x128xf32> to vector<1024x128xf32>
    %add3A_9 = arith.addf %dot_general3A_5, %add3A : vector<1024x128xf32>
    %swap3A = arith.constant 0 : index
    %swap3A_10 = arith.constant 0 : index
    %swap3A_11 = vector.load %arg6[%swap3A, %swap3A_10] : memref<1024x128xf32, #tpu.memory_space<vmem>>, vector<1024x128xf32>
    tpu.vector_store %arg6[%swap3A, %swap3A_10], %add3A_9 {strides = array<i32>} : memref<1024x128xf32, #tpu.memory_space<vmem>>, vector<1024x128xf32>,
    %mul3A = arith.mulf %add3A_9, %add3A_9 : vector<1024x128xf32>
    %reduce_sum3A = arith.constant dense<0.000000e+00> : vector<1024xf32>
    %reduce_sum3A_12 = vector.multi_reduction <add>, %mul3A, %reduce_sum3A [1] : vector<1024x128xf32> to vector<1024xf32>
    %broadcast_in_dim3A = vector.shape_cast %reduce_sum3A_12 : vector<1024xf32> to vector<1024x1xf32>
    %sqrt3A = math.sqrt %broadcast_in_dim3A : vector<1024x1xf32>
    %max3A = arith.constant 9.99999996E-13 : f32
    %max3A_13 = vector.broadcast %max3A : f32 to vector<1024x1xf32>
    %max3A_14 = arith.maximumf %sqrt3A, %max3A_13 : vector<1024x1xf32>
    %div3A = vector.broadcast %max3A_14 : vector<1024x1xf32> to vector<1024x128xf32>
    %div3A_15 = arith.divf %add3A_9, %div3A : vector<1024x128xf32>
    %swap3A_16 = arith.constant 0 : index
    %swap3A_17 = arith.constant 0 : index
    %swap3A_18 = vector.load %arg7[%swap3A_16, %swap3A_17] : memref<1024x128xf32, #tpu.memory_space<vmem>>, vector<1024x128xf32>
    tpu.vector_store %arg7[%swap3A_16, %swap3A_17], %div3A_15 {strides = array<i32>} : memref<1024x128xf32, #tpu.memory_space<vmem>>, vector<1024x128xf32>,
    %get3A_19 = arith.constant 0 : index
    %get3A_20 = arith.constant 0 : index
    %get3A_21 = vector.load %arg4[%get3A_19, %get3A_20] : memref<1000x128xf32, #tpu.memory_space<vmem>>, vector<1000x128xf32>
    %dot_general3A_22 = arith.constant dense<0.000000e+00> : vector<1024x1000xf32>
    %dot_general3A_23 = tpu.matmul %add3A_9, %get3A_21, %dot_general3A_22 {dimension_numbers = #tpu.dot_dimension_numbers<[1], [1], [0], [0], [0, 0, 1, 0], [], []>, transpose_lhs_hint = false} : vector<1024x128xf32>, vector<1000x128xf32>, vector<1024x1000xf32> -> vector<1024x1000xf32>
    %get3A_24 = arith.constant 0 : index
    %get3A_25 = arith.constant 0 : index
    %get3A_26 = vector.load %arg5[%get3A_24, %get3A_25] : memref<1x1000xf32, #tpu.memory_space<vmem>>, vector<1x1000xf32>
    %add3A_27 = vector.broadcast %get3A_26 : vector<1x1000xf32> to vector<1024x1000xf32>
    %add3A_28 = arith.addf %dot_general3A_23, %add3A_27 : vector<1024x1000xf32>
    %reduce_max3A = arith.constant dense<0xFF800000> : vector<1024xf32>
    %reduce_max3A_29 = vector.multi_reduction <maximumf>, %add3A_28, %reduce_max3A [1] : vector<1024x1000xf32> to vector<1024xf32>
    %broadcast_in_dim3A_30 = vector.shape_cast %reduce_max3A_29 : vector<1024xf32> to vector<1024x1xf32>
    %sub3A = vector.broadcast %broadcast_in_dim3A_30 : vector<1024x1xf32> to vector<1024x1000xf32>
    %sub3A_31 = arith.subf %add3A_28, %sub3A : vector<1024x1000xf32>
    %exp3A = math.exp %sub3A_31 : vector<1024x1000xf32>
    %reduce_sum3A_32 = arith.constant dense<0.000000e+00> : vector<1024xf32>
    %reduce_sum3A_33 = vector.multi_reduction <add>, %exp3A, %reduce_sum3A_32 [1] : vector<1024x1000xf32> to vector<1024xf32>
    %broadcast_in_dim3A_34 = vector.shape_cast %reduce_sum3A_33 : vector<1024xf32> to vector<1024x1xf32>
    %log3A = math.log %broadcast_in_dim3A_34 : vector<1024x1xf32>
    %add3A_35 = arith.addf %broadcast_in_dim3A_30, %log3A : vector<1024x1xf32>
    %mul3A_36 = arith.mulf %add3A_28, %exp3A : vector<1024x1000xf32>
    %reduce_sum3A_37 = arith.constant dense<0.000000e+00> : vector<1024xf32>
    %reduce_sum3A_38 = vector.multi_reduction <add>, %mul3A_36, %reduce_sum3A_37 [1] : vector<1024x1000xf32> to vector<1024xf32>
    %broadcast_in_dim3A_39 = vector.shape_cast %reduce_sum3A_38 : vector<1024xf32> to vector<1024x1xf32>
    %div3A_40 = arith.divf %broadcast_in_dim3A_39, %broadcast_in_dim3A_34 : vector<1024x1xf32>
    %sub3A_41 = arith.subf %add3A_35, %div3A_40 : vector<1024x1xf32>
    %iota3A = tpu.iota {dimensions = array<i32: 1>} : vector<1024x1000xi32>
    %eq3A = vector.broadcast %broadcast_in_dim3A_30 : vector<1024x1xf32> to vector<1024x1000xf32>
    %eq3A_42 = arith.cmpf oeq, %add3A_28, %eq3A : vector<1024x1000xf32>
    %jit3A = arith.constant 1073741824 : i32
    %broadcast_in_dim3A_43 = vector.broadcast %jit3A : i32 to vector<1024x1000xi32>
    %select_n3A = arith.select %eq3A_42, %iota3A, %broadcast_in_dim3A_43 : vector<1024x1000xi1>, vector<1024x1000xi32>
    %reduce_min3A = arith.constant dense<2147483647> : vector<1024xi32>
    %reduce_min3A_44 = vector.multi_reduction <minsi>, %select_n3A, %reduce_min3A [1] : vector<1024x1000xi32> to vector<1024xi32>
    %broadcast_in_dim3A_45 = vector.shape_cast %reduce_min3A_44 : vector<1024xi32> to vector<1024x1xi32>
    %swap3A_46 = arith.constant 0 : index
    %swap3A_47 = arith.constant 0 : index
    %swap3A_48 = vector.load %arg8[%swap3A_46, %swap3A_47] : memref<1024x1xi32, #tpu.memory_space<vmem>>, vector<1024x1xi32>
    tpu.vector_store %arg8[%swap3A_46, %swap3A_47], %broadcast_in_dim3A_45 {strides = array<i32>} : memref<1024x1xi32, #tpu.memory_space<vmem>>, vector<1024x1xi32>,
    %swap3A_49 = arith.constant 0 : index
    %swap3A_50 = arith.constant 0 : index
    %swap3A_51 = vector.load %arg9[%swap3A_49, %swap3A_50] : memref<1024x1xf32, #tpu.memory_space<vmem>>, vector<1024x1xf32>
    tpu.vector_store %arg9[%swap3A_49, %swap3A_50], %sub3A_41 {strides = array<i32>} : memref<1024x1xf32, #tpu.memory_space<vmem>>, vector<1024x1xf32>,
    %iota3A_52 = tpu.iota {dimensions = array<i32: 1>} : vector<1024x1000xi32>
    %eq3A_53 = vector.broadcast %broadcast_in_dim3A_45 : vector<1024x1xi32> to vector<1024x1000xi32>
    %eq3A_54 = arith.cmpi eq, %eq3A_53, %iota3A_52 : vector<1024x1000xi32>
    %convert_element_type3A = arith.extui %eq3A_54 : vector<1024x1000xi1> to vector<1024x1000xi32>
    %reduce_sum3A_55 = arith.constant dense<0> : vector<1000xi32>
    %reduce_sum3A_56 = vector.multi_reduction <add>, %convert_element_type3A, %reduce_sum3A_55 [0] : vector<1024x1000xi32> to vector<1000xi32>
    %broadcast_in_dim3A_57 = vector.shape_cast %reduce_sum3A_56 : vector<1000xi32> to vector<1x1000xi32>
    %broadcast_in_dim3A_58 = vector.shape_cast %broadcast_in_dim3A_57 : vector<1x1000xi32> to vector<1x1x1000xi32>
    %swap3A_59 = arith.constant 0 : index
    %swap3A_60 = arith.constant 0 : index
    %swap3A_61 = arith.constant 0 : index
    %swap3A_62 = vector.load %arg10[%swap3A_59, %swap3A_60, %swap3A_61] : memref<1x1x1000xi32, #tpu.memory_space<vmem>>, vector<1x1x1000xi32>
    tpu.vector_store %arg10[%swap3A_59, %swap3A_60, %swap3A_61], %broadcast_in_dim3A_58 {strides = array<i32>} : memref<1x1x1000xi32, #tpu.memory_space<vmem>>, vector<1x1x1000xi32>,
    return
  }
  func.func @transform_0(%arg0: i32) -> (i32, i32) {
    %c0_i32 = arith.constant 0 : i32
    %c0_i32_0 = arith.constant 0 : i32
    return %arg0, %c0_i32 : i32, i32
  }
  func.func @transform_1(%arg0: i32) -> (i32, i32) {
    %c0_i32 = arith.constant 0 : i32
    %c0_i32_0 = arith.constant 0 : i32
    %c0_i32_1 = arith.constant 0 : i32
    return %c0_i32, %c0_i32_0 : i32, i32
  }
  func.func @transform_2(%arg0: i32) -> (i32, i32) {
    %c0_i32 = arith.constant 0 : i32
    %c0_i32_0 = arith.constant 0 : i32
    %c0_i32_1 = arith.constant 0 : i32
    return %c0_i32, %c0_i32_0 : i32, i32
  }
  func.func @transform_3(%arg0: i32) -> (i32, i32) {
    %c0_i32 = arith.constant 0 : i32
    %c0_i32_0 = arith.constant 0 : i32
    %c0_i32_1 = arith.constant 0 : i32
    return %c0_i32, %c0_i32_0 : i32, i32
  }
  func.func @transform_4(%arg0: i32) -> (i32, i32) {
    %c0_i32 = arith.constant 0 : i32
    %c0_i32_0 = arith.constant 0 : i32
    %c0_i32_1 = arith.constant 0 : i32
    return %c0_i32, %c0_i32_0 : i32, i32
  }
  func.func @transform_5(%arg0: i32) -> (i32, i32) {
    %c0_i32 = arith.constant 0 : i32
    %c0_i32_0 = arith.constant 0 : i32
    return %arg0, %c0_i32 : i32, i32
  }
  func.func @transform_6(%arg0: i32) -> (i32, i32) {
    %c0_i32 = arith.constant 0 : i32
    %c0_i32_0 = arith.constant 0 : i32
    return %arg0, %c0_i32 : i32, i32
  }
  func.func @transform_7(%arg0: i32) -> (i32, i32) {
    %c0_i32 = arith.constant 0 : i32
    %c0_i32_0 = arith.constant 0 : i32
    return %arg0, %c0_i32 : i32, i32
  }
  func.func @transform_8(%arg0: i32) -> (i32, i32) {
    %c0_i32 = arith.constant 0 : i32
    %c0_i32_0 = arith.constant 0 : i32
    return %arg0, %c0_i32 : i32, i32
  }
  func.func @transform_9(%arg0: i32) -> (i32, i32, i32) {
    %c0_i32 = arith.constant 0 : i32
    %c0_i32_0 = arith.constant 0 : i32
    %c0_i32_1 = arith.constant 0 : i32
    return %arg0, %c0_i32, %c0_i32_0 : i32, i32, i32
  }
}

module attributes {stable_mosaic.version = 14 : i64} {
  func.func @_warm_body(%arg0: memref<1024x128xf32, #tpu.memory_space<vmem>>, %arg1: memref<1000x128xf32, #tpu.memory_space<vmem>>, %arg2: memref<1x1000xf32, #tpu.memory_space<vmem>>, %arg3: memref<1024x128xf32, #tpu.memory_space<vmem>>, %arg4: memref<1024x1xi32, #tpu.memory_space<vmem>>, %arg5: memref<1024x1xf32, #tpu.memory_space<vmem>>, %arg6: memref<1x1000xi32, #tpu.memory_space<vmem>>) attributes {dimension_semantics = [], scalar_prefetch = 0 : i64, scratch_operands = 0 : i64, tpu.core_type = #tpu.core_type<tc>} {
    %get3A = arith.constant 0 : index
    %get3A_0 = arith.constant 0 : index
    %get3A_1 = vector.load %arg0[%get3A, %get3A_0] : memref<1024x128xf32, #tpu.memory_space<vmem>>, vector<1024x128xf32>
    %mul3A = arith.mulf %get3A_1, %get3A_1 : vector<1024x128xf32>
    %reduce_sum3A = arith.constant dense<0.000000e+00> : vector<1024xf32>
    %reduce_sum3A_2 = vector.multi_reduction <add>, %mul3A, %reduce_sum3A [1] : vector<1024x128xf32> to vector<1024xf32>
    %broadcast_in_dim3A = vector.shape_cast %reduce_sum3A_2 : vector<1024xf32> to vector<1024x1xf32>
    %sqrt3A = math.sqrt %broadcast_in_dim3A : vector<1024x1xf32>
    %max3A = arith.constant 9.99999996E-13 : f32
    %max3A_3 = vector.broadcast %max3A : f32 to vector<1024x1xf32>
    %max3A_4 = arith.maximumf %sqrt3A, %max3A_3 : vector<1024x1xf32>
    %div3A = vector.broadcast %max3A_4 : vector<1024x1xf32> to vector<1024x128xf32>
    %div3A_5 = arith.divf %get3A_1, %div3A : vector<1024x128xf32>
    %swap3A = arith.constant 0 : index
    %swap3A_6 = arith.constant 0 : index
    %swap3A_7 = vector.load %arg3[%swap3A, %swap3A_6] : memref<1024x128xf32, #tpu.memory_space<vmem>>, vector<1024x128xf32>
    tpu.vector_store %arg3[%swap3A, %swap3A_6], %div3A_5 {strides = array<i32>} : memref<1024x128xf32, #tpu.memory_space<vmem>>, vector<1024x128xf32>,
    %get3A_8 = arith.constant 0 : index
    %get3A_9 = arith.constant 0 : index
    %get3A_10 = vector.load %arg1[%get3A_8, %get3A_9] : memref<1000x128xf32, #tpu.memory_space<vmem>>, vector<1000x128xf32>
    %dot_general3A = arith.constant dense<0.000000e+00> : vector<1024x1000xf32>
    %dot_general3A_11 = tpu.matmul %get3A_1, %get3A_10, %dot_general3A {dimension_numbers = #tpu.dot_dimension_numbers<[1], [1], [0], [0], [0, 0, 1, 0], [], []>, transpose_lhs_hint = false} : vector<1024x128xf32>, vector<1000x128xf32>, vector<1024x1000xf32> -> vector<1024x1000xf32>
    %get3A_12 = arith.constant 0 : index
    %get3A_13 = arith.constant 0 : index
    %get3A_14 = vector.load %arg2[%get3A_12, %get3A_13] : memref<1x1000xf32, #tpu.memory_space<vmem>>, vector<1x1000xf32>
    %add3A = vector.broadcast %get3A_14 : vector<1x1000xf32> to vector<1024x1000xf32>
    %add3A_15 = arith.addf %dot_general3A_11, %add3A : vector<1024x1000xf32>
    %reduce_max3A = arith.constant dense<0xFF800000> : vector<1024xf32>
    %reduce_max3A_16 = vector.multi_reduction <maximumf>, %add3A_15, %reduce_max3A [1] : vector<1024x1000xf32> to vector<1024xf32>
    %broadcast_in_dim3A_17 = vector.shape_cast %reduce_max3A_16 : vector<1024xf32> to vector<1024x1xf32>
    %sub3A = vector.broadcast %broadcast_in_dim3A_17 : vector<1024x1xf32> to vector<1024x1000xf32>
    %sub3A_18 = arith.subf %add3A_15, %sub3A : vector<1024x1000xf32>
    %exp3A = math.exp %sub3A_18 : vector<1024x1000xf32>
    %reduce_sum3A_19 = arith.constant dense<0.000000e+00> : vector<1024xf32>
    %reduce_sum3A_20 = vector.multi_reduction <add>, %exp3A, %reduce_sum3A_19 [1] : vector<1024x1000xf32> to vector<1024xf32>
    %broadcast_in_dim3A_21 = vector.shape_cast %reduce_sum3A_20 : vector<1024xf32> to vector<1024x1xf32>
    %log3A = math.log %broadcast_in_dim3A_21 : vector<1024x1xf32>
    %add3A_22 = arith.addf %broadcast_in_dim3A_17, %log3A : vector<1024x1xf32>
    %mul3A_23 = arith.mulf %add3A_15, %exp3A : vector<1024x1000xf32>
    %reduce_sum3A_24 = arith.constant dense<0.000000e+00> : vector<1024xf32>
    %reduce_sum3A_25 = vector.multi_reduction <add>, %mul3A_23, %reduce_sum3A_24 [1] : vector<1024x1000xf32> to vector<1024xf32>
    %broadcast_in_dim3A_26 = vector.shape_cast %reduce_sum3A_25 : vector<1024xf32> to vector<1024x1xf32>
    %div3A_27 = arith.divf %broadcast_in_dim3A_26, %broadcast_in_dim3A_21 : vector<1024x1xf32>
    %sub3A_28 = arith.subf %add3A_22, %div3A_27 : vector<1024x1xf32>
    %iota3A = tpu.iota {dimensions = array<i32: 1>} : vector<1024x1000xi32>
    %eq3A = vector.broadcast %broadcast_in_dim3A_17 : vector<1024x1xf32> to vector<1024x1000xf32>
    %eq3A_29 = arith.cmpf oeq, %add3A_15, %eq3A : vector<1024x1000xf32>
    %jit3A = arith.constant 1073741824 : i32
    %broadcast_in_dim3A_30 = vector.broadcast %jit3A : i32 to vector<1024x1000xi32>
    %select_n3A = arith.select %eq3A_29, %iota3A, %broadcast_in_dim3A_30 : vector<1024x1000xi1>, vector<1024x1000xi32>
    %reduce_min3A = arith.constant dense<2147483647> : vector<1024xi32>
    %reduce_min3A_31 = vector.multi_reduction <minsi>, %select_n3A, %reduce_min3A [1] : vector<1024x1000xi32> to vector<1024xi32>
    %broadcast_in_dim3A_32 = vector.shape_cast %reduce_min3A_31 : vector<1024xi32> to vector<1024x1xi32>
    %iota3A_33 = tpu.iota {dimensions = array<i32: 0>} : vector<1024x1xi32>
    %lt3A = arith.constant 1000 : i32
    %lt3A_34 = vector.broadcast %lt3A : i32 to vector<1024x1xi32>
    %lt3A_35 = arith.cmpi slt, %iota3A_33, %lt3A_34 : vector<1024x1xi32>
    %jit3A_36 = arith.constant 1000 : i32
    %broadcast_in_dim3A_37 = vector.broadcast %jit3A_36 : i32 to vector<1024x1xi32>
    %select_n3A_38 = arith.select %lt3A_35, %broadcast_in_dim3A_32, %broadcast_in_dim3A_37 : vector<1024x1xi1>, vector<1024x1xi32>
    %swap3A_39 = arith.constant 0 : index
    %swap3A_40 = arith.constant 0 : index
    %swap3A_41 = vector.load %arg4[%swap3A_39, %swap3A_40] : memref<1024x1xi32, #tpu.memory_space<vmem>>, vector<1024x1xi32>
    tpu.vector_store %arg4[%swap3A_39, %swap3A_40], %select_n3A_38 {strides = array<i32>} : memref<1024x1xi32, #tpu.memory_space<vmem>>, vector<1024x1xi32>,
    %swap3A_42 = arith.constant 0 : index
    %swap3A_43 = arith.constant 0 : index
    %swap3A_44 = vector.load %arg5[%swap3A_42, %swap3A_43] : memref<1024x1xf32, #tpu.memory_space<vmem>>, vector<1024x1xf32>
    tpu.vector_store %arg5[%swap3A_42, %swap3A_43], %sub3A_28 {strides = array<i32>} : memref<1024x1xf32, #tpu.memory_space<vmem>>, vector<1024x1xf32>,
    %get3A_45 = arith.constant 0 : index
    %get3A_46 = arith.constant 0 : index
    %get3A_47 = vector.load %arg4[%get3A_45, %get3A_46] : memref<1024x1xi32, #tpu.memory_space<vmem>>, vector<1024x1xi32>
    %iota3A_48 = tpu.iota {dimensions = array<i32: 1>} : vector<1024x1000xi32>
    %eq3A_49 = vector.broadcast %get3A_47 : vector<1024x1xi32> to vector<1024x1000xi32>
    %eq3A_50 = arith.cmpi eq, %eq3A_49, %iota3A_48 : vector<1024x1000xi32>
    %convert_element_type3A = arith.extui %eq3A_50 : vector<1024x1000xi1> to vector<1024x1000xi32>
    %reduce_sum3A_51 = arith.constant dense<0> : vector<1000xi32>
    %reduce_sum3A_52 = vector.multi_reduction <add>, %convert_element_type3A, %reduce_sum3A_51 [0] : vector<1024x1000xi32> to vector<1000xi32>
    %broadcast_in_dim3A_53 = vector.shape_cast %reduce_sum3A_52 : vector<1000xi32> to vector<1x1000xi32>
    %swap3A_54 = arith.constant 0 : index
    %swap3A_55 = arith.constant 0 : index
    %swap3A_56 = vector.load %arg6[%swap3A_54, %swap3A_55] : memref<1x1000xi32, #tpu.memory_space<vmem>>, vector<1x1000xi32>
    tpu.vector_store %arg6[%swap3A_54, %swap3A_55], %broadcast_in_dim3A_53 {strides = array<i32>} : memref<1x1000xi32, #tpu.memory_space<vmem>>, vector<1x1000xi32>,
    return
  }
}

module attributes {stable_mosaic.version = 14 : i64} {
  func.func @_rank_body(%arg0: i32, %arg1: memref<1024x1xi32, #tpu.memory_space<vmem>>, %arg2: memref<1024x1xf32, #tpu.memory_space<vmem>>, %arg3: memref<1024x128xf32, #tpu.memory_space<vmem>>, %arg4: memref<17x1x1024xi32, #tpu.memory_space<vmem>>, %arg5: memref<17x1x1024xf32, #tpu.memory_space<vmem>>, %arg6: memref<1024x128xf32, #tpu.memory_space<vmem>>) attributes {dimension_semantics = [#tpu.dimension_semantics<arbitrary>], iteration_bounds = array<i64: 17>, scalar_prefetch = 0 : i64, scratch_operands = 0 : i64, tpu.core_type = #tpu.core_type<tc>, window_params = [{transform_indices = @transform_0, window_bounds = array<i64: 1024, 1>}, {transform_indices = @transform_1, window_bounds = array<i64: 1024, 1>}, {transform_indices = @transform_2, window_bounds = array<i64: 1024, 128>}, {pipeline_mode = #tpu.pipeline_mode<synchronous>, transform_indices = @transform_3, window_bounds = array<i64: 17, 1, 1024>}, {pipeline_mode = #tpu.pipeline_mode<synchronous>, transform_indices = @transform_4, window_bounds = array<i64: 17, 1, 1024>}, {transform_indices = @transform_5, window_bounds = array<i64: 1024, 128>}]} {
    %get3A = arith.constant 0 : index
    %get3A_0 = arith.constant 0 : index
    %get3A_1 = vector.load %arg1[%get3A, %get3A_0] : memref<1024x1xi32, #tpu.memory_space<vmem>>, vector<1024x1xi32>
    %get3A_2 = arith.constant 0 : index
    %get3A_3 = arith.constant 0 : index
    %get3A_4 = vector.load %arg2[%get3A_2, %get3A_3] : memref<1024x1xf32, #tpu.memory_space<vmem>>, vector<1024x1xf32>
    %mul3A = arith.constant 1024 : i32
    %mul3A_5 = arith.muli %arg0, %mul3A : i32
    %iota3A = tpu.iota {dimensions = array<i32: 0>} : vector<1024x1xi32>
    %add3A = vector.broadcast %mul3A_5 : i32 to vector<1024x1xi32>
    %add3A_6 = arith.addi %add3A, %iota3A : vector<1024x1xi32>
    %broadcast_in_dim3A = arith.constant 0 : i32
    %broadcast_in_dim3A_7 = vector.broadcast %broadcast_in_dim3A : i32 to vector<1024x1xi32>
    %scan3A = arith.constant 0 : i32
    %scan3A_8 = arith.constant 17 : i32
    %scan3A_9 = arith.addi %scan3A, %scan3A_8 : i32
    %scan3A_10 = arith.constant 1 : i32
    %scan3A_11 = scf.for %scan3A_23 = %scan3A to %scan3A_9 step %scan3A_10 iter_args(%scan3A_24 = %broadcast_in_dim3A_7) -> (vector<1024x1xi32>)  : i32 {
      %get3A_25 = arith.index_cast %scan3A_23 : i32 to index
      %get3A_26 = arith.constant 0 : index
      %get3A_27 = arith.constant 0 : index
      %get3A_28 = vector.load %arg4[%get3A_25, %get3A_26, %get3A_27] : memref<17x1x1024xi32, #tpu.memory_space<vmem>>, vector<1x1x1024xi32>
      %get3A_29 = vector.shape_cast %get3A_28 : vector<1x1x1024xi32> to vector<1x1024xi32>
      %get3A_30 = arith.index_cast %scan3A_23 : i32 to index
      %get3A_31 = arith.constant 0 : index
      %get3A_32 = arith.constant 0 : index
      %get3A_33 = vector.load %arg5[%get3A_30, %get3A_31, %get3A_32] : memref<17x1x1024xf32, #tpu.memory_space<vmem>>, vector<1x1x1024xf32>
      %get3A_34 = vector.shape_cast %get3A_33 : vector<1x1x1024xf32> to vector<1x1024xf32>
      %mul3A_35 = arith.constant 1024 : i32
      %mul3A_36 = arith.muli %scan3A_23, %mul3A_35 : i32
      %iota3A_37 = tpu.iota {dimensions = array<i32: 1>} : vector<1x1024xi32>
      %add3A_38 = vector.broadcast %mul3A_36 : i32 to vector<1x1024xi32>
      %add3A_39 = arith.addi %add3A_38, %iota3A_37 : vector<1x1024xi32>
      %lt3A_40 = vector.broadcast %get3A_34 : vector<1x1024xf32> to vector<1024x1024xf32>
      %lt3A_41 = vector.broadcast %get3A_4 : vector<1024x1xf32> to vector<1024x1024xf32>
      %lt3A_42 = arith.cmpf olt, %lt3A_40, %lt3A_41 : vector<1024x1024xf32>
      %eq3A = vector.broadcast %get3A_34 : vector<1x1024xf32> to vector<1024x1024xf32>
      %eq3A_43 = vector.broadcast %get3A_4 : vector<1024x1xf32> to vector<1024x1024xf32>
      %eq3A_44 = arith.cmpf oeq, %eq3A, %eq3A_43 : vector<1024x1024xf32>
      %lt3A_45 = vector.broadcast %add3A_39 : vector<1x1024xi32> to vector<1024x1024xi32>
      %lt3A_46 = vector.broadcast %add3A_6 : vector<1024x1xi32> to vector<1024x1024xi32>
      %lt3A_47 = arith.cmpi slt, %lt3A_45, %lt3A_46 : vector<1024x1024xi32>
      %and3A = arith.andi %eq3A_44, %lt3A_47 : vector<1024x1024xi1>
      %or3A = arith.ori %lt3A_42, %and3A : vector<1024x1024xi1>
      %eq3A_48 = vector.broadcast %get3A_29 : vector<1x1024xi32> to vector<1024x1024xi32>
      %eq3A_49 = vector.broadcast %get3A_1 : vector<1024x1xi32> to vector<1024x1024xi32>
      %eq3A_50 = arith.cmpi eq, %eq3A_48, %eq3A_49 : vector<1024x1024xi32>
      %and3A_51 = arith.andi %eq3A_50, %or3A : vector<1024x1024xi1>
      %convert_element_type3A_52 = arith.extui %and3A_51 : vector<1024x1024xi1> to vector<1024x1024xi32>
      %reduce_sum3A = arith.constant dense<0> : vector<1024xi32>
      %reduce_sum3A_53 = vector.multi_reduction <add>, %convert_element_type3A_52, %reduce_sum3A [1] : vector<1024x1024xi32> to vector<1024xi32>
      %broadcast_in_dim3A_54 = vector.shape_cast %reduce_sum3A_53 : vector<1024xi32> to vector<1024x1xi32>
      %add3A_55 = arith.addi %scan3A_24, %broadcast_in_dim3A_54 : vector<1024x1xi32>
      scf.yield %add3A_55 : vector<1024x1xi32>
    }
    %scan3A_12 = arith.constant 17 : i32
    %get3A_13 = arith.constant 0 : index
    %get3A_14 = arith.constant 0 : index
    %get3A_15 = vector.load %arg3[%get3A_13, %get3A_14] : memref<1024x128xf32, #tpu.memory_space<vmem>>, vector<1024x128xf32>
    %lt3A = arith.constant 100 : i32
    %lt3A_16 = vector.broadcast %lt3A : i32 to vector<1024x1xi32>
    %lt3A_17 = arith.cmpi slt, %scan3A_11, %lt3A_16 : vector<1024x1xi32>
    %convert_element_type3A = arith.extui %lt3A_17 : vector<1024x1xi1> to vector<1024x1xi32>
    %convert_element_type3A_18 = arith.sitofp %convert_element_type3A : vector<1024x1xi32> to vector<1024x1xf32>
    %mul3A_19 = vector.broadcast %convert_element_type3A_18 : vector<1024x1xf32> to vector<1024x128xf32>
    %mul3A_20 = arith.mulf %get3A_15, %mul3A_19 : vector<1024x128xf32>
    %swap3A = arith.constant 0 : index
    %swap3A_21 = arith.constant 0 : index
    %swap3A_22 = vector.load %arg6[%swap3A, %swap3A_21] : memref<1024x128xf32, #tpu.memory_space<vmem>>, vector<1024x128xf32>
    tpu.vector_store %arg6[%swap3A, %swap3A_21], %mul3A_20 {strides = array<i32>} : memref<1024x128xf32, #tpu.memory_space<vmem>>, vector<1024x128xf32>,
    return
  }
  func.func @transform_0(%arg0: i32) -> (i32, i32) {
    %c0_i32 = arith.constant 0 : i32
    %c0_i32_0 = arith.constant 0 : i32
    return %arg0, %c0_i32 : i32, i32
  }
  func.func @transform_1(%arg0: i32) -> (i32, i32) {
    %c0_i32 = arith.constant 0 : i32
    %c0_i32_0 = arith.constant 0 : i32
    return %arg0, %c0_i32 : i32, i32
  }
  func.func @transform_2(%arg0: i32) -> (i32, i32) {
    %c0_i32 = arith.constant 0 : i32
    %c0_i32_0 = arith.constant 0 : i32
    return %arg0, %c0_i32 : i32, i32
  }
  func.func @transform_3(%arg0: i32) -> (i32, i32, i32) {
    %c0_i32 = arith.constant 0 : i32
    %c0_i32_0 = arith.constant 0 : i32
    %c0_i32_1 = arith.constant 0 : i32
    %c0_i32_2 = arith.constant 0 : i32
    return %c0_i32, %c0_i32_0, %c0_i32_1 : i32, i32, i32
  }
  func.func @transform_4(%arg0: i32) -> (i32, i32, i32) {
    %c0_i32 = arith.constant 0 : i32
    %c0_i32_0 = arith.constant 0 : i32
    %c0_i32_1 = arith.constant 0 : i32
    %c0_i32_2 = arith.constant 0 : i32
    return %c0_i32, %c0_i32_0, %c0_i32_1 : i32, i32, i32
  }
  func.func @transform_5(%arg0: i32) -> (i32, i32) {
    %c0_i32 = arith.constant 0 : i32
    %c0_i32_0 = arith.constant 0 : i32
    return %arg0, %c0_i32 : i32, i32
  }
}

module attributes {stable_mosaic.version = 14 : i64} {
  func.func @_out_body(%arg0: i32, %arg1: memref<1024x128xf32, #tpu.memory_space<vmem>>, %arg2: memref<2x1024x128xf32, #tpu.memory_space<vmem>>, %arg3: memref<1024x1000xf32, #tpu.memory_space<vmem>>) attributes {dimension_semantics = [#tpu.dimension_semantics<parallel>], iteration_bounds = array<i64: 16>, scalar_prefetch = 0 : i64, scratch_operands = 0 : i64, tpu.core_type = #tpu.core_type<tc>, window_params = [{transform_indices = @transform_0, window_bounds = array<i64: 1024, 128>}, {pipeline_mode = #tpu.pipeline_mode<synchronous>, transform_indices = @transform_1, window_bounds = array<i64: 2, 1024, 128>}, {transform_indices = @transform_2, window_bounds = array<i64: 1024, 1000>}]} {
    %get3A = arith.constant 0 : index
    %get3A_0 = arith.constant 0 : index
    %get3A_1 = arith.constant 0 : index
    %get3A_2 = vector.load %arg2[%get3A, %get3A_0, %get3A_1] : memref<2x1024x128xf32, #tpu.memory_space<vmem>>, vector<1x1024x128xf32>
    %get3A_3 = vector.shape_cast %get3A_2 : vector<1x1024x128xf32> to vector<1024x128xf32>
    %get3A_4 = arith.constant 1 : index
    %get3A_5 = arith.constant 0 : index
    %get3A_6 = arith.constant 0 : index
    %get3A_7 = vector.load %arg2[%get3A_4, %get3A_5, %get3A_6] : memref<2x1024x128xf32, #tpu.memory_space<vmem>>, vector<1x1024x128xf32>
    %get3A_8 = vector.shape_cast %get3A_7 : vector<1x1024x128xf32> to vector<1024x128xf32>
    %add3A = arith.addf %get3A_3, %get3A_8 : vector<1024x128xf32>
    %mul3A = arith.mulf %add3A, %add3A : vector<1024x128xf32>
    %reduce_sum3A = arith.constant dense<0.000000e+00> : vector<1024xf32>
    %reduce_sum3A_9 = vector.multi_reduction <add>, %mul3A, %reduce_sum3A [1] : vector<1024x128xf32> to vector<1024xf32>
    %broadcast_in_dim3A = vector.shape_cast %reduce_sum3A_9 : vector<1024xf32> to vector<1024x1xf32>
    %sqrt3A = math.sqrt %broadcast_in_dim3A : vector<1024x1xf32>
    %max3A = arith.constant 9.99999996E-13 : f32
    %max3A_10 = vector.broadcast %max3A : f32 to vector<1024x1xf32>
    %max3A_11 = arith.maximumf %sqrt3A, %max3A_10 : vector<1024x1xf32>
    %div3A = vector.broadcast %max3A_11 : vector<1024x1xf32> to vector<1024x128xf32>
    %div3A_12 = arith.divf %add3A, %div3A : vector<1024x128xf32>
    %get3A_13 = arith.constant 0 : index
    %get3A_14 = arith.constant 0 : index
    %get3A_15 = vector.load %arg1[%get3A_13, %get3A_14] : memref<1024x128xf32, #tpu.memory_space<vmem>>, vector<1024x128xf32>
    %dot_general3A = arith.constant dense<0.000000e+00> : vector<1024x1024xf32>
    %dot_general3A_16 = tpu.matmul %get3A_15, %div3A_12, %dot_general3A {dimension_numbers = #tpu.dot_dimension_numbers<[1], [1], [0], [0], [0, 0, 1, 0], [], []>, transpose_lhs_hint = false} : vector<1024x128xf32>, vector<1024x128xf32>, vector<1024x1024xf32> -> vector<1024x1024xf32>
    %slice3A = vector.extract_strided_slice %dot_general3A_16 {offsets = [0, 0], sizes = [1024, 1000], strides = [1, 1]} : vector<1024x1024xf32> to vector<1024x1000xf32>
    %swap3A = arith.constant 0 : index
    %swap3A_17 = arith.constant 0 : index
    %swap3A_18 = vector.load %arg3[%swap3A, %swap3A_17] : memref<1024x1000xf32, #tpu.memory_space<vmem>>, vector<1024x1000xf32>
    tpu.vector_store %arg3[%swap3A, %swap3A_17], %slice3A {strides = array<i32>} : memref<1024x1000xf32, #tpu.memory_space<vmem>>, vector<1024x1000xf32>,
    return
  }
  func.func @transform_0(%arg0: i32) -> (i32, i32) {
    %c0_i32 = arith.constant 0 : i32
    %c0_i32_0 = arith.constant 0 : i32
    return %arg0, %c0_i32 : i32, i32
  }
  func.func @transform_1(%arg0: i32) -> (i32, i32, i32) {
    %c0_i32 = arith.constant 0 : i32
    %c0_i32_0 = arith.constant 0 : i32
    %c0_i32_1 = arith.constant 0 : i32
    %c0_i32_2 = arith.constant 0 : i32
    return %c0_i32, %c0_i32_0, %c0_i32_1 : i32, i32, i32
  }
  func.func @transform_2(%arg0: i32) -> (i32, i32) {
    %c0_i32 = arith.constant 0 : i32
    %c0_i32_0 = arith.constant 0 : i32
    return %arg0, %c0_i32 : i32, i32
  }
}

</mosaic_0001>

<sc_bundles>
// kernel: kernel.6.cloned.1.call-start
scs
__scs_entry_jumppad:
0x0: {  	(pc) =	sbr.rel $0x88, $3  }
0x1: {  	(tag) =	ssettag $0x0;
	lr =	simm.s32 $0x1  }
0x2: {  	[smem:$0x3F9C] =	sst lr;
	_ =	strace $0xD0000000  }
0x3: {  	_ = 	snop  }
0x4: {  	_ = 	snop  }
0x5: {  	_ = 	snop  }
0x6: {  	_ = 	snop  }
0x7: {  	_ = 	snop  }
__scs_overlays_trampoline_lowered:
0x8: {  	[smem:$0x3FAB] =	sst s0  }
0x9: {  	[smem:$0x3FAC] =	sst s1  }
0xa: {  	[smem:$0x3FAD] =	sst s2  }
0xb: {  	[smem:$0x3FAE] =	sst s3  }
0xc: {  	[smem:$0x3FAF] =	sst s4  }
0xd: {  	[smem:$0x3FB0] =	sst s5  }
0xe: {  	[smem:$0x3FB1] =	sst s6  }
0xf: {  	[smem:$0x3FB2] =	sst s7  }
0x10: {  	[smem:$0x3FB3] =	sst s8  }
0x11: {  	[smem:$0x3FB4] =	sst s9;
	s0 =	simm.s32 @!p0 $0x0  }
0x12: {  	s1 =	sld [smem:$0x3F9A];
	s0 =	simm.s32 @p0 $0x1  }
0x13: {  	[smem:$0x3FB5] =	sst s0;
	s0 =	simm.s32 @!p1 $0x0  }
0x14: {  	s2 =	sld [smem:$0x3F99];
	s0 =	simm.s32 @p1 $0x1  }
0x15: {  	[smem:$0x3FB6] =	sst s0;
	s0 =	simm.s32 @!p2 $0x0  }
0x16: {  	s3 =	sld [smem:$0x3FDB];
	s0 =	simm.s32 @p2 $0x1  }
0x17: {  	s4 =	simm.s32 $0x1BF5;
	[smem:$0x3FB8] =	sst s0  }
0x18: {  	s0 =	sld [smem:$0x3F9B];
	_ =	swait.ge [sflag:s4], $0x0  }
0x19: {  	s7 =	sld [smem:$0x3F9C]  }
0x1a: {  	s8 =	sadd.s32 $0xFFFFE003, lr  }
0x1b: {  	s9 =	sadd.s32 $0xFFFFFEF7, lr;
	s5 =	simm.s32 $0xFFFFFFFF;
	p2 =	slt.u32 s8, $0xFFFFF086  }
0x1c: {  	p1 =	slt.u32 s9, $0xF7A;
	s5 =	simm.s32 @!p2 $0x0  }
0x1d: {  	s5 =	simm.s32 @p1 $0x1;
	p0 =	seq.s32 s7, s2  }
0x1e: {  	s7 =	smul.u32 @!p0 $0xF7A, s2;
	p2 =	seq.s32 @!p0 s5, $0x0  }
0x1f: {  	s9 =	smul.u32 $0xF7A, s1;
	s8 =	simm.s32 @!p0 $0x1BF5;
	p2 =	por !p2, p0  }
0x20: {  	[sflag:s8] =	ssyncset.s32 @!p0 $0xFFFFF086;
	s6 =	sadd.s32 @!p0 s3, s7;
	s7 =	simm.s32 @!p0 $0x108  }
0x21: {  	s3 =	sadd.s32 s3, s9;
	s6 =	sadd.s32 @!p0 $0x88, s6;
	s7 =	simm.s32 @p2 $0x1082  }
0x22: {  	[simem:s7], [sflag:s8] =	dma.local @!p0 [hbm:s6], $0xF7A  }
0x23: {  	s9 =	sor.u32 $0xD0000000, s2;
	s6 =	simm.s32 $0x108;
	_ =	swait.ge @!p0 [sflag:s8], $0x0  }
0x24: {  	s3 =	sadd.s32 $0x88, s3;
	s6 =	simm.s32 @!p1 $0x1082;
	[sflag:s4] =	ssyncset.s32 $0xFFFFF086  }
0x25: {  	[simem:s6], [sflag:s4] =	dma.local [hbm:s3], $0xF7A  }
0x26: {  	[smem:$0x3F9C] =	sst s1;
	(tag) =	ssettag s2;
	_ =	strace s9  }
0x27: {  	s1 =	sld [smem:$0x3FAC]  }
0x28: {  	s2 =	sld [smem:$0x3FAD]  }
0x29: {  	s4 =	sld [smem:$0x3FAF]  }
0x2a: {  	p0 =	seq.s32 s5, $0x0;
	s5 =	sld [smem:$0x3FB0]  }
0x2b: {  	s6 =	sld [smem:$0x3FB1]  }
0x2c: {  	s7 =	sld [smem:$0x3FB2]  }
0x2d: {  	s3 =	simm.s32 $0x108;
	s8 =	sld [smem:$0x3FB3]  }
0x2e: {  	s3 =	simm.s32 @!p0 $0x1082;
	s9 =	sld [smem:$0x3FB4]  }
0x2f: {  	lr =	sadd.s32 s0, s3;
	s0 =	sld [smem:$0x3FAB]  }
0x30: {  	s3 =	sld [smem:$0x3FAE]  }
0x31: {  	[smem:$0x3FB7] =	sst s10  }
0x32: {  	s10 =	sld [smem:$0x3FB5];
	_ =	sdelay $0x3  }
0x33: {  	p0 =	seq.s32 s10, $0x1;
	s10 =	sld [smem:$0x3FB7];
	_ =	sdelay $0x3  }
0x34: {  	[smem:$0x3FB7] =	sst s10  }
0x35: {  	s10 =	sld [smem:$0x3FB6];
	_ =	sdelay $0x3  }
0x36: {  	p1 =	seq.s32 s10, $0x1;
	s10 =	sld [smem:$0x3FB7];
	_ =	sdelay $0x3  }
0x37: {  	[smem:$0x3FB7] =	sst s10  }
0x38: {  	s10 =	sld [smem:$0x3FB8]  }
0x39: {  	_ = 	snop;
	(pc) =	sbr.ind lr, $3  }
0x3a: {  	_ = 	snop  }
0x3b: {  	_ = 	snop  }
0x3c: {  	p2 =	seq.s32 s10, $0x1;
	s10 =	sld [smem:$0x3FB7]  }
0x3d: {  	_ =	shalt  }
0x3e: {  	_ =	shalt  }
0x3f: {  	_ =	shalt  }
0x40: {  	_ =	shalt  }
0x41: {  	_ =	shalt  }
0x42: {  	_ =	shalt  }
0x43: {  	_ =	shalt  }
0x44: {  	_ =	shalt  }
0x45: {  	_ =	shalt  }
0x46: {  	_ =	shalt  }
0x47: {  	_ =	shalt  }
0x48: {  	_ =	shalt  }
0x49: {  	_ =	shalt  }
0x4a: {  	_ =	shalt  }
0x4b: {  	_ =	shalt  }
0x4c: {  	_ =	shalt  }
0x4d: {  	_ =	shalt  }
0x4e: {  	_ =	shalt  }
0x4f: {  	_ =	shalt  }
0x50: {  	_ =	shalt  }
0x51: {  	_ =	shalt  }
0x52: {  	_ =	shalt  }
0x53: {  	_ =	shalt  }
0x54: {  	_ =	shalt  }
0x55: {  	_ =	shalt  }
0x56: {  	_ =	shalt  }
0x57: {  	_ =	shalt  }
0x58: {  	_ =	shalt  }
0x59: {  	_ =	shalt  }
0x5a: {  	_ =	shalt  }
0x5b: {  	_ =	shalt  }
0x5c: {  	_ =	shalt  }
0x5d: {  	_ =	shalt  }
0x5e: {  	_ =	shalt  }
0x5f: {  	_ =	shalt  }
0x60: {  	_ =	shalt  }
0x61: {  	_ =	shalt  }
0x62: {  	_ =	shalt  }
0x63: {  	_ =	shalt  }
0x64: {  	_ =	shalt  }
0x65: {  	_ =	shalt  }
0x66: {  	_ =	shalt  }
0x67: {  	_ =	shalt  }
0x68: {  	_ =	shalt  }
0x69: {  	_ =	shalt  }
0x6a: {  	_ =	shalt  }
0x6b: {  	_ =	shalt  }
0x6c: {  	_ =	shalt  }
0x6d: {  	_ =	shalt  }
0x6e: {  	_ =	shalt  }
0x6f: {  	_ =	shalt  }
0x70: {  	_ =	shalt  }
0x71: {  	_ =	shalt  }
0x72: {  	_ =	shalt  }
0x73: {  	_ =	shalt  }
0x74: {  	_ =	shalt  }
0x75: {  	_ =	shalt  }
0x76: {  	_ =	shalt  }
0x77: {  	_ =	shalt  }
0x78: {  	_ =	shalt  }
0x79: {  	_ =	shalt  }
0x7a: {  	_ =	shalt  }
0x7b: {  	_ =	shalt  }
0x7c: {  	_ =	shalt  }
0x7d: {  	_ =	shalt  }
0x7e: {  	_ =	shalt  }
0x7f: {  	_ =	shalt  }
0x80: {  	_ =	shalt  }
0x81: {  	_ =	shalt  }
0x82: {  	_ =	shalt  }
0x83: {  	_ =	shalt  }
0x84: {  	_ =	shalt  }
0x85: {  	_ =	shalt  }
0x86: {  	_ =	shalt  }
0x87: {  	_ =	shalt  }
.Lfunc_end0:
.L_simem_size_0:
called_computation_lowered:
.L_overlay_start_0:
0x88: {  	s2 =	sld [smem:$0x3FD9]  }
0x89: {  	s3 =	sld [smem:$0x3FFE];
	_ =	sdelay $0x1  }
0x8a: {  	s1 =	srdreg.scid  }
0x8b: {  	s0 =	sand.u32 $0x1, s1  }
0x8c: {  	s17 =	sshll.u32 s0, $0xA;
	s2 =	sadd.s32 s3, s2  }
0x8d: {  	s2 =	sadd.s32 s2, s17  }
0x8e: {  	[smem:$0x3FC3] =	sst s2  }
0x8f: {  	_ = 	snop  }
0x90: {  	s2 =	sld [smem:$0x3FD0];
	(tm) =	ssettm $0x1  }
0x91: {  	s18 =	sld [smem:$0x3FFB];
	_ =	sdelay $0x3  }
0x92: {  	_ =	strace s18  }
0x93: {  	s3 =	sld [smem:$0x3FFC];
	_ =	sdelay $0x3  }
0x94: {  	_ =	strace s3  }
0x95: {  	s3 =	sld [smem:$0x3FFD];
	_ =	sdelay $0x3  }
0x96: {  	_ =	strace s3  }
0x97: {  	_ =	strace $0x8FFFFFFF  }
0x98: {  	s19 =	sld [smem:$0x3FDB];
	_ =	sdelay $0x1  }
0x99: {  	s4 =	simm.s32 $_scs_section_size  }
0x9a: {  	s5 =	simm.s32 $_size__tile_overlayer_lowered;
	s6 =	simm.s32 $_tile_overlayer_lowered  }
0x9b: {  	s22 =	simm.s32 $0x1BFF;
	s21 =	sshll.u32 s6, $0x1;
	s3 =	sadd.s32 s4, s19  }
0x9c: {  	s7 =	simm.s32 $0x0;
	s20 =	sshll.u32 s5, $0x1;
	s5 =	sadd.s32 s21, s3  }
0x9d: {  	[timem:s7], [sflag:s22] =	dma.local [hbm:s5], s20  }
0x9e: {  	_ =	swait.ge [sflag:s22], s20  }
0x9f: {  	s4 =	ssub.s32 $0x0, s20;
	[sflag:s22] =	ssyncset.done $0x0  }
0xa0: {  	[sflag:s22] =	ssyncadd.s32 s4;
	_ =	sdelay $0x1  }
0xa1: {  	s23 =	simm.s32 $0x1B8B  }
0xa2: {  	_ =	swait.ge [sflag:s23], $0x1  }
0xa3: {  	[sflag:s23] =	ssyncset.done $0x0  }
0xa4: {  	s25 =	simm.s32 $0x1B8E;
	s24 =	sld [smem:$0x3FFE];
	[sflag:s23] =	ssyncadd.s32 $0xFFFFFFFF  }
0xa5: {  	s26 =	simm.s32 $execute0_lowered;
	[smem:$0x3FD2] =	sst s25  }
0xa6: {  	s5 =	sshll.u32 s26, $0x1;
	_ =	strace $0x80000046;
	[dreg:$0x1] =	wrdreg $0xFFFFFFFF  }
0xa7: {  	s28 =	simm.s32 $_size_execute0_lowered;
	s3 =	sadd.s32 s3, s5;
	[dreg:$0x0] =	wrdreg $0x0  }
0xa8: {  	s5 =	sshll.u32 s28, $0x1;
	[dreg:$0x2] =	wrdreg s3  }
0xa9: {  	[dreg:$0x3] =	wrdreg s5  }
0xaa: {  	[dreg:$0x4] =	wrdreg $0xC0  }
0xab: {  	_ =	task [dreg:s7], $0x5FFFF  }
0xac: {  	[dreg:$0x1] =	wrdreg $0xFFFFFFFF  }
0xad: {  	[dreg:$0x0] =	wrdreg $0x60  }
0xae: {  	[dreg:$0x2] =	wrdreg s24  }
0xaf: {  	[dreg:$0x3] =	wrdreg s2  }
0xb0: {  	[dreg:$0x4] =	wrdreg $0x51000  }
0xb1: {  	[dreg:$0x5] =	wrdreg $0x9  }
0xb2: {  	_ =	task.clear_ibuf [dreg:s7], $0x6FFFF;
	_ =	strace $0x90000046  }
0xb3: {  	s29 =	simm.s32 $0x9;
	_ =	strace $0x80000048  }
0xb4: {  	_ =	swait.ge [sflag:s29], $0x1  }
0xb5: {  	[sflag:s29] =	ssyncadd.s32 $0xFFFFFFFF  }
0xb6: {  	_ =	strace $0x90000048  }
0xb7: {  	_ =	sfence  }
0xb8: {  	s30 =	sld [smem:$0x0];
	_ =	sdelay $0x2  }
0xb9: {  	s31 =	sshll.u32 s1, $0xD;
	s1 =	sshrl.u32 s1, $0x2  }
0xba: {  	s3 =	sand.u32 $0x4000, s31;
	s1 =	sadd.s32 s1, s30  }
0xbb: {  	s0 =	sor.u32 s3, s0;
	s1 =	sshll.u32 s1, $0x11  }
0xbc: {  	s0 =	sor.u32 s1, s0  }
0xbd: {  	s0 =	sadd.s32 $0x8F2B, s0  }
0xbe: {  	[sflag:s0] =	ssyncadd.remote.s32 $0x1  }
0xbf: {  	_ =	sfence.sel $0xFFFF  }
0xc0: {  	[dreg:$0x0] =	wrdreg $0xFFFFFFFF;
	(pc) =	sbr.abs _section_cstart, $3  }
0xc1: {  	[dreg:$0x1] =	wrdreg $0xFFFFFFFF  }
0xc2: {  	_ =	task.clear_ibuf [dreg:s7], $0x2FFFF;
	_ =	strace $0x9FFFFFFF  }
0xc3: {  	(tm) =	ssettm $0x7FFFFFFF  }
tec
execute0_lowered:
.L_overlay_start_1:
0x0: {  	(tag) =	ssettag $0x1  }
0x1: {  	s4 =	rddreg [dreg:$0x0]  }
0x2: {  	s5 =	rddreg [dreg:$0x1];
	s0 =	srdreg.scid  }
0x3: {  	s1 =	stileid.u32;
	s2 =	rddreg [dreg:$0x2];
	s3 =	simm.s32 $0x0  }
0x4: {  	p1 =	por $0x0, $0x0;
	s8 =	sand.u32 $0x1, s0;
	s0 =	rddreg [dreg:$0x3]  }
0x5: {  	s6 =	sshll.u32 s1, $0x1;
	[smem:$0x7FF] =	sst s3;
	s11 =	sadd.s32 $0x5000, s4  }
0x6: {  	s20 =	sadd.s32 $0x45200, s4;
	s19 =	sadd.s32 $0x45A00, s4;
	s28 =	sshll.u32 s1, $0xA  }
0x7: {  	s29 =	sshll.u32 s1, $0xD;
	p0 =	sne.s32 s1, $0x0;
	s6 =	sor.u32 s8, s6  }
0x8: {  	_ =	strace $0x80000047;
	s12 =	ssub.s32 $0x2, s8;
	s8 =	sshll.u32 s8, $0xE  }
0x9: {  	s30 =	sadd.s32 s29, s2;
	s7 =	sshll.u32 s6, $0x9;
	s10 =	sshll.u32 s6, $0x2  }
0xa: {  	s13 =	sshrl.u32 s12, $0x1;
	s9 =	sadd.s32 s7, s4;
	s10 =	sadd.s32 s10, s4  }
0xb: {  	s12 =	ssub.s32 s12, s13;
	s13 =	sshll.u32 s6, $0xD;
	s6 =	sshll.u32 s6, $0x6  }
0xc: {  	s14 =	sor.u32 $0x80, s7;
	s22 =	sor.u32 $0x100, s7;
	s25 =	sor.u32 $0x180, s7  }
0xd: {  	s18 =	sadd.s32 $0xE00, s9;
	s17 =	sadd.s32 $0x4E00, s10;
	s16 =	sadd.s32 s11, s13  }
0xe: {  	s15 =	sadd.s32 s20, s6;
	s21 =	sshll.u32 s14, $0x4;
	s4 =	sshrl.u32 s14, $0x3  }
0xf: {  	s23 =	sshll.u32 s22, $0x4;
	s26 =	sshll.u32 s25, $0x4;
	s31 =	smax.u32 s12, $0x1  }
0x10: {  	s24 =	sshrl.u32 s22, $0x3;
	s7 =	sadd.s32 s11, s26;
	s26 =	sadd.s32 $0xFFFFFFFF, s31  }
0x11: {  	s6 =	sshrl.u32 s25, $0x3;
	s22 =	simm.s32 $0x20;
	p2 =	sne.s32 s26, $0x0  }
.Ltmp0:
0x12: {  	s12 =	simm.s32 $0x80;
	s14 =	sadd.s32 s11, s21;
	(pc) =	sbr.rel @!p2 .LBB2_3-.Ltmp0, $4  }
0x13: {  	s13 =	sadd.s32 s20, s4;
	s10 =	sadd.s32 s11, s23;
	s9 =	sadd.s32 s20, s24  }
0x14: {  	s6 =	sadd.s32 s20, s6;
	s4 =	sadd.s32 s5, s28;
	s23 =	sshrl.u32 @!p0 s2, $0x3  }
0x15: {  	s20 =	simm.s32 $0x4080;
	s5 =	simm.s32 $0x1;
	s21 =	simm.s32 $0x5080  }
0x16: {  	s11 =	simm.s32 $0x4000;
	s4 =	sadd.s32 s8, s4;
	s8 =	sshrl.u32 s30, $0x3  }
0x17: {  	s24 =	simm.s32 @!p0 $0x1C01;
	s25 =	simm.s32 @!p0 $0x1  }
0x18: {  	[spmem:s23], [sflag:s24] =	dma.local @!p0 [hbm:s19], $0x4000  }
0x19: {  	_ =	swait.ge @!p0 [sflag:s25], $0x4000  }
0x1a: {  	[sflag:s25] =	ssyncset.done @!p0 $0x0  }
0x1b: {  	[sflag:s25] =	ssyncadd.s32 @!p0 $0xFFFFC000  }
0x1c: {  	[bflag:$0x0] =	sbarrier.arrive $0xFFFF  }
0x1d: {  	[tilespmem:s20], [sflag:$0x1] =	stream.linear.gather [hbm4b:s18+s3], $0x1000, $0x38;
	[tilespmem:$0x7100] =	vst v63  }
0x1e: {  	_ =	swait.ge [sflag:s5], $0x1000  }
0x1f: {  	[sflag:s5] =	ssyncset.done $0x0  }
0x20: {  	[sflag:s5] =	ssyncadd.s32 $0xFFFFF000  }
0x21: {  	[tilespmem:s21], [sflag:$0x1] =	stream.linear.gather [hbm4b:s17+s3], $0x20, $0x38;
	[tilespmem:$0x7100] =	vst v63  }
0x22: {  	_ =	swait.ge [sflag:s5], $0x20  }
0x23: {  	[sflag:s5] =	ssyncset.done $0x0  }
0x24: {  	[sflag:s5] =	ssyncadd.s32 $0xFFFFFFE0  }
0x25: {  	[spmem:s2] =	stream.indirect.scatter.add.f32 [tilespmem:s20], [sflag:$0x1], $0x80, s21, s22, $0xb8;
	[tilespmem:$0x7100] =	vst v63  }
0x26: {  	_ =	swait.ge [sflag:s5], $0x1000  }
0x27: {  	[sflag:s5] =	ssyncset.done $0x0  }
0x28: {  	[sflag:s5] =	ssyncadd.s32 $0xFFFFF000  }
0x29: {  	[tilespmem:s3], [sflag:$0x1] =	stream.linear.gather [hbm4b:s16+s3], $0x4000, $0x38;
	[tilespmem:$0x7100] =	vst v63  }
0x2a: {  	_ =	swait.ge [sflag:s5], $0x4000  }
0x2b: {  	[sflag:s5] =	ssyncset.done $0x0  }
0x2c: {  	[sflag:s5] =	ssyncadd.s32 $0xFFFFC000  }
0x2d: {  	[tilespmem:s11], [sflag:$0x1] =	stream.linear.gather [hbm4b:s15+s3], $0x80, $0x38;
	[tilespmem:$0x7100] =	vst v63  }
0x2e: {  	_ =	swait.ge [sflag:s5], $0x80  }
0x2f: {  	[sflag:s5] =	ssyncset.done $0x0  }
0x30: {  	[sflag:s5] =	ssyncadd.s32 $0xFFFFFF80  }
0x31: {  	[spmem:s2] =	stream.indirect.scatter.add.f32 [tilespmem:s3], [sflag:$0x1], $0x80, s11, s12, $0xb8;
	[tilespmem:$0x7100] =	vst v63  }
0x32: {  	_ =	swait.ge [sflag:s5], $0x4000  }
0x33: {  	[sflag:s5] =	ssyncset.done $0x0  }
0x34: {  	[sflag:s5] =	ssyncadd.s32 $0xFFFFC000  }
0x35: {  	[tilespmem:s3], [sflag:$0x1] =	stream.linear.gather [hbm4b:s14+s3], $0x4000, $0x38;
	[tilespmem:$0x7100] =	vst v63  }
0x36: {  	_ =	swait.ge [sflag:s5], $0x4000  }
0x37: {  	[sflag:s5] =	ssyncset.done $0x0  }
0x38: {  	[sflag:s5] =	ssyncadd.s32 $0xFFFFC000  }
0x39: {  	[tilespmem:s11], [sflag:$0x1] =	stream.linear.gather [hbm4b:s13+s3], $0x80, $0x38;
	[tilespmem:$0x7100] =	vst v63  }
0x3a: {  	_ =	swait.ge [sflag:s5], $0x80  }
0x3b: {  	[sflag:s5] =	ssyncset.done $0x0  }
0x3c: {  	[sflag:s5] =	ssyncadd.s32 $0xFFFFFF80  }
0x3d: {  	[spmem:s2] =	stream.indirect.scatter.add.f32 [tilespmem:s3], [sflag:$0x1], $0x80, s11, s12, $0xb8;
	[tilespmem:$0x7100] =	vst v63  }
0x3e: {  	_ =	swait.ge [sflag:s5], $0x4000  }
0x3f: {  	[sflag:s5] =	ssyncset.done $0x0  }
0x40: {  	[sflag:s5] =	ssyncadd.s32 $0xFFFFC000  }
0x41: {  	[tilespmem:s3], [sflag:$0x1] =	stream.linear.gather [hbm4b:s10+s3], $0x4000, $0x38;
	[tilespmem:$0x7100] =	vst v63  }
0x42: {  	_ =	swait.ge [sflag:s5], $0x4000  }
0x43: {  	[sflag:s5] =	ssyncset.done $0x0  }
0x44: {  	[sflag:s5] =	ssyncadd.s32 $0xFFFFC000  }
0x45: {  	[tilespmem:s11], [sflag:$0x1] =	stream.linear.gather [hbm4b:s9+s3], $0x80, $0x38;
	[tilespmem:$0x7100] =	vst v63  }
0x46: {  	_ =	swait.ge [sflag:s5], $0x80  }
0x47: {  	[sflag:s5] =	ssyncset.done $0x0  }
0x48: {  	[sflag:s5] =	ssyncadd.s32 $0xFFFFFF80  }
0x49: {  	[spmem:s2] =	stream.indirect.scatter.add.f32 [tilespmem:s3], [sflag:$0x1], $0x80, s11, s12, $0xb8;
	[tilespmem:$0x7100] =	vst v63  }
0x4a: {  	_ =	swait.ge [sflag:s5], $0x4000  }
0x4b: {  	[sflag:s5] =	ssyncset.done $0x0  }
0x4c: {  	[sflag:s5] =	ssyncadd.s32 $0xFFFFC000  }
0x4d: {  	[tilespmem:s3], [sflag:$0x1] =	stream.linear.gather [hbm4b:s7+s3], $0x4000, $0x38;
	[tilespmem:$0x7100] =	vst v63  }
0x4e: {  	_ =	swait.ge [sflag:s5], $0x4000  }
0x4f: {  	[sflag:s5] =	ssyncset.done $0x0  }
0x50: {  	[sflag:s5] =	ssyncadd.s32 $0xFFFFC000  }
0x51: {  	[tilespmem:s11], [sflag:$0x1] =	stream.linear.gather [hbm4b:s6+s3], $0x80, $0x38;
	[tilespmem:$0x7100] =	vst v63  }
0x52: {  	_ =	swait.ge [sflag:s5], $0x80  }
0x53: {  	[sflag:s5] =	ssyncset.done $0x0  }
0x54: {  	[sflag:s5] =	ssyncadd.s32 $0xFFFFFF80  }
0x55: {  	[spmem:s2] =	stream.indirect.scatter.add.f32 [tilespmem:s3], [sflag:$0x1], $0x80, s11, s12, $0xb8;
	[tilespmem:$0x7100] =	vst v63  }
0x56: {  	s26 =	sadd.s32 $0xFFFFFFFF, s26;
	_ =	swait.ge [sflag:s5], $0x4000  }
0x57: {  	p2 =	sne.s32 s26, $0x0;
	[sflag:s5] =	ssyncset.done $0x0  }
.Ltmp1:
0x58: {  	s28 =	sshll.u32 s1, $0x6;
	[sflag:s5] =	ssyncadd.s32 $0xFFFFC000;
	(pc) =	sbr.rel @!p2 .LBB2_3-.Ltmp1, $4  }
0x59: {  	s28 =	sor.u32 $0x1C01, s28;
	[bflag:$0x0] =	sbarrier.arrive $0xFFFF  }
0x5a: {  	[hbm:s4], [sflag:s28] =	dma.local [spmem:s8], $0x400  }
0x5b: {  	_ =	swait.ge [sflag:s5], $0x400  }
0x5c: {  	p1 =	por $0x1, $0x1;
	[sflag:s5] =	ssyncset.done $0x0  }
.LBB2_2:
0x5d: {  	[sflag:s5] =	ssyncadd.s32 $0xFFFFFC00  }
0x5e: {  	[spmem:s23], [sflag:s24] =	dma.local @!p0 [hbm:s19], $0x4000  }
0x5f: {  	s26 =	sadd.s32 $0xFFFFFFFF, s26;
	_ =	swait.ge @!p0 [sflag:s25], $0x4000  }
0x60: {  	p2 =	sne.s32 s26, $0x0;
	[sflag:s25] =	ssyncset.done @!p0 $0x0  }
0x61: {  	[sflag:s25] =	ssyncadd.s32 @!p0 $0xFFFFC000  }
0x62: {  	[bflag:$0x0] =	sbarrier.arrive $0xFFFF  }
0x63: {  	[tilespmem:s20], [sflag:$0x1] =	stream.linear.gather [hbm4b:s18+s3], $0x1000, $0x38;
	[tilespmem:$0x7100] =	vst v63  }
0x64: {  	_ =	swait.ge [sflag:s5], $0x1000  }
0x65: {  	[sflag:s5] =	ssyncset.done $0x0  }
0x66: {  	[sflag:s5] =	ssyncadd.s32 $0xFFFFF000  }
0x67: {  	[tilespmem:s21], [sflag:$0x1] =	stream.linear.gather [hbm4b:s17+s3], $0x20, $0x38;
	[tilespmem:$0x7100] =	vst v63  }
0x68: {  	_ =	swait.ge [sflag:s5], $0x20  }
0x69: {  	[sflag:s5] =	ssyncset.done $0x0  }
0x6a: {  	[sflag:s5] =	ssyncadd.s32 $0xFFFFFFE0  }
0x6b: {  	[spmem:s2] =	stream.indirect.scatter.add.f32 [tilespmem:s20], [sflag:$0x1], $0x80, s21, s22, $0xb8;
	[tilespmem:$0x7100] =	vst v63  }
0x6c: {  	_ =	swait.ge [sflag:s5], $0x1000  }
0x6d: {  	[sflag:s5] =	ssyncset.done $0x0  }
0x6e: {  	[sflag:s5] =	ssyncadd.s32 $0xFFFFF000  }
0x6f: {  	[tilespmem:s3], [sflag:$0x1] =	stream.linear.gather [hbm4b:s16+s3], $0x4000, $0x38;
	[tilespmem:$0x7100] =	vst v63  }
0x70: {  	_ =	swait.ge [sflag:s5], $0x4000  }
0x71: {  	[sflag:s5] =	ssyncset.done $0x0  }
0x72: {  	[sflag:s5] =	ssyncadd.s32 $0xFFFFC000  }
0x73: {  	[tilespmem:s11], [sflag:$0x1] =	stream.linear.gather [hbm4b:s15+s3], $0x80, $0x38;
	[tilespmem:$0x7100] =	vst v63  }
0x74: {  	_ =	swait.ge [sflag:s5], $0x80  }
0x75: {  	[sflag:s5] =	ssyncset.done $0x0  }
0x76: {  	[sflag:s5] =	ssyncadd.s32 $0xFFFFFF80  }
0x77: {  	[spmem:s2] =	stream.indirect.scatter.add.f32 [tilespmem:s3], [sflag:$0x1], $0x80, s11, s12, $0xb8;
	[tilespmem:$0x7100] =	vst v63  }
0x78: {  	_ =	swait.ge [sflag:s5], $0x4000  }
0x79: {  	[sflag:s5] =	ssyncset.done $0x0  }
0x7a: {  	[sflag:s5] =	ssyncadd.s32 $0xFFFFC000  }
0x7b: {  	[tilespmem:s3], [sflag:$0x1] =	stream.linear.gather [hbm4b:s14+s3], $0x4000, $0x38;
	[tilespmem:$0x7100] =	vst v63  }
0x7c: {  	_ =	swait.ge [sflag:s5], $0x4000  }
0x7d: {  	[sflag:s5] =	ssyncset.done $0x0  }
0x7e: {  	[sflag:s5] =	ssyncadd.s32 $0xFFFFC000  }
0x7f: {  	[tilespmem:s11], [sflag:$0x1] =	stream.linear.gather [hbm4b:s13+s3], $0x80, $0x38;
	[tilespmem:$0x7100] =	vst v63  }
0x80: {  	_ =	swait.ge [sflag:s5], $0x80  }
0x81: {  	[sflag:s5] =	ssyncset.done $0x0  }
0x82: {  	[sflag:s5] =	ssyncadd.s32 $0xFFFFFF80  }
0x83: {  	[spmem:s2] =	stream.indirect.scatter.add.f32 [tilespmem:s3], [sflag:$0x1], $0x80, s11, s12, $0xb8;
	[tilespmem:$0x7100] =	vst v63  }
0x84: {  	_ =	swait.ge [sflag:s5], $0x4000  }
0x85: {  	[sflag:s5] =	ssyncset.done $0x0  }
0x86: {  	[sflag:s5] =	ssyncadd.s32 $0xFFFFC000  }
0x87: {  	[tilespmem:s3], [sflag:$0x1] =	stream.linear.gather [hbm4b:s10+s3], $0x4000, $0x38;
	[tilespmem:$0x7100] =	vst v63  }
0x88: {  	_ =	swait.ge [sflag:s5], $0x4000  }
0x89: {  	[sflag:s5] =	ssyncset.done $0x0  }
0x8a: {  	[sflag:s5] =	ssyncadd.s32 $0xFFFFC000  }
0x8b: {  	[tilespmem:s11], [sflag:$0x1] =	stream.linear.gather [hbm4b:s9+s3], $0x80, $0x38;
	[tilespmem:$0x7100] =	vst v63  }
0x8c: {  	_ =	swait.ge [sflag:s5], $0x80  }
0x8d: {  	[sflag:s5] =	ssyncset.done $0x0  }
0x8e: {  	[sflag:s5] =	ssyncadd.s32 $0xFFFFFF80  }
0x8f: {  	[spmem:s2] =	stream.indirect.scatter.add.f32 [tilespmem:s3], [sflag:$0x1], $0x80, s11, s12, $0xb8;
	[tilespmem:$0x7100] =	vst v63  }
0x90: {  	_ =	swait.ge [sflag:s5], $0x4000  }
0x91: {  	[sflag:s5] =	ssyncset.done $0x0  }
0x92: {  	[sflag:s5] =	ssyncadd.s32 $0xFFFFC000  }
0x93: {  	[tilespmem:s3], [sflag:$0x1] =	stream.linear.gather [hbm4b:s7+s3], $0x4000, $0x38;
	[tilespmem:$0x7100] =	vst v63  }
0x94: {  	_ =	swait.ge [sflag:s5], $0x4000  }
0x95: {  	[sflag:s5] =	ssyncset.done $0x0  }
0x96: {  	[sflag:s5] =	ssyncadd.s32 $0xFFFFC000  }
0x97: {  	[tilespmem:s11], [sflag:$0x1] =	stream.linear.gather [hbm4b:s6+s3], $0x80, $0x38;
	[tilespmem:$0x7100] =	vst v63  }
0x98: {  	_ =	swait.ge [sflag:s5], $0x80  }
0x99: {  	[sflag:s5] =	ssyncset.done $0x0  }
0x9a: {  	[sflag:s5] =	ssyncadd.s32 $0xFFFFFF80  }
0x9b: {  	[spmem:s2] =	stream.indirect.scatter.add.f32 [tilespmem:s3], [sflag:$0x1], $0x80, s11, s12, $0xb8;
	[tilespmem:$0x7100] =	vst v63  }
0x9c: {  	_ =	swait.ge [sflag:s5], $0x4000  }
0x9d: {  	[sflag:s5] =	ssyncset.done $0x0  }
.Ltmp2:
0x9e: {  	[sflag:s5] =	ssyncadd.s32 $0xFFFFC000;
	(pc) =	sbr.rel @p2 .LBB2_2-.Ltmp2, $4  }
0x9f: {  	[bflag:$0x0] =	sbarrier.arrive $0xFFFF  }
0xa0: {  	[hbm:s4], [sflag:s28] =	dma.local [spmem:s8], $0x400  }
0xa1: {  	_ =	swait.ge [sflag:s5], $0x400  }
0xa2: {  	[sflag:s5] =	ssyncset.done $0x0  }
.LBB2_3:
0xa3: {  	s24 =	simm.s32 @!p0 $0x1C01;
	s25 =	simm.s32 @!p0 $0x1;
	[sflag:s5] =	ssyncadd.s32 @p1 $0xFFFFFC00  }
0xa4: {  	[spmem:s23], [sflag:s24] =	dma.local @!p0 [hbm:s19], $0x4000  }
0xa5: {  	_ =	swait.ge @!p0 [sflag:s25], $0x4000  }
0xa6: {  	[sflag:s25] =	ssyncset.done @!p0 $0x0  }
0xa7: {  	[sflag:s25] =	ssyncadd.s32 @!p0 $0xFFFFC000  }
0xa8: {  	[bflag:$0x0] =	sbarrier.arrive $0xFFFF  }
0xa9: {  	[tilespmem:s20], [sflag:$0x1] =	stream.linear.gather [hbm4b:s18+s3], $0x1000, $0x38;
	[tilespmem:$0x7100] =	vst v63  }
0xaa: {  	_ =	swait.ge [sflag:s5], $0x1000  }
0xab: {  	[sflag:s5] =	ssyncset.done $0x0  }
0xac: {  	[sflag:s5] =	ssyncadd.s32 $0xFFFFF000  }
0xad: {  	[tilespmem:s21], [sflag:$0x1] =	stream.linear.gather [hbm4b:s17+s3], $0x20, $0x38;
	[tilespmem:$0x7100] =	vst v63  }
0xae: {  	_ =	swait.ge [sflag:s5], $0x20  }
0xaf: {  	[sflag:s5] =	ssyncset.done $0x0  }
0xb0: {  	[sflag:s5] =	ssyncadd.s32 $0xFFFFFFE0  }
0xb1: {  	[spmem:s2] =	stream.indirect.scatter.add.f32 [tilespmem:s20], [sflag:$0x1], $0x80, s21, s22, $0xb8;
	[tilespmem:$0x7100] =	vst v63  }
0xb2: {  	_ =	swait.ge [sflag:s5], $0x1000  }
0xb3: {  	[sflag:s5] =	ssyncset.done $0x0  }
0xb4: {  	[sflag:s5] =	ssyncadd.s32 $0xFFFFF000  }
0xb5: {  	[tilespmem:s3], [sflag:$0x1] =	stream.linear.gather [hbm4b:s16+s3], $0x4000, $0x38;
	[tilespmem:$0x7100] =	vst v63  }
0xb6: {  	_ =	swait.ge [sflag:s5], $0x4000  }
0xb7: {  	[sflag:s5] =	ssyncset.done $0x0  }
0xb8: {  	[sflag:s5] =	ssyncadd.s32 $0xFFFFC000  }
0xb9: {  	[tilespmem:s11], [sflag:$0x1] =	stream.linear.gather [hbm4b:s15+s3], $0x80, $0x38;
	[tilespmem:$0x7100] =	vst v63  }
0xba: {  	_ =	swait.ge [sflag:s5], $0x80  }
0xbb: {  	[sflag:s5] =	ssyncset.done $0x0  }
0xbc: {  	[sflag:s5] =	ssyncadd.s32 $0xFFFFFF80  }
0xbd: {  	[spmem:s2] =	stream.indirect.scatter.add.f32 [tilespmem:s3], [sflag:$0x1], $0x80, s11, s12, $0xb8;
	[tilespmem:$0x7100] =	vst v63  }
0xbe: {  	_ =	swait.ge [sflag:s5], $0x4000  }
0xbf: {  	[sflag:s5] =	ssyncset.done $0x0  }
0xc0: {  	[sflag:s5] =	ssyncadd.s32 $0xFFFFC000  }
0xc1: {  	[tilespmem:s3], [sflag:$0x1] =	stream.linear.gather [hbm4b:s14+s3], $0x4000, $0x38;
	[tilespmem:$0x7100] =	vst v63  }
0xc2: {  	_ =	swait.ge [sflag:s5], $0x4000  }
0xc3: {  	[sflag:s5] =	ssyncset.done $0x0  }
0xc4: {  	[sflag:s5] =	ssyncadd.s32 $0xFFFFC000  }
0xc5: {  	[tilespmem:s11], [sflag:$0x1] =	stream.linear.gather [hbm4b:s13+s3], $0x80, $0x38;
	[tilespmem:$0x7100] =	vst v63  }
0xc6: {  	_ =	swait.ge [sflag:s5], $0x80  }
0xc7: {  	[sflag:s5] =	ssyncset.done $0x0  }
0xc8: {  	[sflag:s5] =	ssyncadd.s32 $0xFFFFFF80  }
0xc9: {  	[spmem:s2] =	stream.indirect.scatter.add.f32 [tilespmem:s3], [sflag:$0x1], $0x80, s11, s12, $0xb8;
	[tilespmem:$0x7100] =	vst v63  }
0xca: {  	_ =	swait.ge [sflag:s5], $0x4000  }
0xcb: {  	[sflag:s5] =	ssyncset.done $0x0  }
0xcc: {  	[sflag:s5] =	ssyncadd.s32 $0xFFFFC000  }
0xcd: {  	[tilespmem:s3], [sflag:$0x1] =	stream.linear.gather [hbm4b:s10+s3], $0x4000, $0x38;
	[tilespmem:$0x7100] =	vst v63  }
0xce: {  	_ =	swait.ge [sflag:s5], $0x4000  }
0xcf: {  	[sflag:s5] =	ssyncset.done $0x0  }
0xd0: {  	[sflag:s5] =	ssyncadd.s32 $0xFFFFC000  }
0xd1: {  	[tilespmem:s11], [sflag:$0x1] =	stream.linear.gather [hbm4b:s9+s3], $0x80, $0x38;
	[tilespmem:$0x7100] =	vst v63  }
0xd2: {  	_ =	swait.ge [sflag:s5], $0x80  }
0xd3: {  	[sflag:s5] =	ssyncset.done $0x0  }
0xd4: {  	[sflag:s5] =	ssyncadd.s32 $0xFFFFFF80  }
0xd5: {  	[spmem:s2] =	stream.indirect.scatter.add.f32 [tilespmem:s3], [sflag:$0x1], $0x80, s11, s12, $0xb8;
	[tilespmem:$0x7100] =	vst v63  }
0xd6: {  	_ =	swait.ge [sflag:s5], $0x4000  }
0xd7: {  	[sflag:s5] =	ssyncset.done $0x0  }
0xd8: {  	[sflag:s5] =	ssyncadd.s32 $0xFFFFC000  }
0xd9: {  	[tilespmem:s3], [sflag:$0x1] =	stream.linear.gather [hbm4b:s7+s3], $0x4000, $0x38;
	[tilespmem:$0x7100] =	vst v63  }
0xda: {  	_ =	swait.ge [sflag:s5], $0x4000  }
0xdb: {  	[sflag:s5] =	ssyncset.done $0x0  }
0xdc: {  	[sflag:s5] =	ssyncadd.s32 $0xFFFFC000  }
0xdd: {  	[tilespmem:s11], [sflag:$0x1] =	stream.linear.gather [hbm4b:s6+s3], $0x80, $0x38;
	[tilespmem:$0x7100] =	vst v63  }
0xde: {  	_ =	swait.ge [sflag:s5], $0x80  }
0xdf: {  	[sflag:s5] =	ssyncset.done $0x0  }
0xe0: {  	[sflag:s5] =	ssyncadd.s32 $0xFFFFFF80  }
0xe1: {  	[spmem:s2] =	stream.indirect.scatter.add.f32 [tilespmem:s3], [sflag:$0x1], $0x80, s11, s12, $0xb8;
	[tilespmem:$0x7100] =	vst v63  }
0xe2: {  	_ =	swait.ge [sflag:s5], $0x4000  }
0xe3: {  	[sflag:s5] =	ssyncset.done $0x0  }
0xe4: {  	s1 =	sshll.u32 s1, $0x6;
	[sflag:s5] =	ssyncadd.s32 $0xFFFFC000  }
0xe5: {  	s1 =	sor.u32 $0x1C01, s1;
	[bflag:$0x0] =	sbarrier.arrive $0xFFFF  }
0xe6: {  	[hbm:s4], [sflag:s1] =	dma.local [spmem:s8], $0x400  }
0xe7: {  	_ =	swait.ge [sflag:s5], $0x400  }
0xe8: {  	[sflag:s5] =	ssyncset.done $0x0  }
0xe9: {  	[sflag:s5] =	ssyncadd.s32 $0xFFFFFC00  }
0xea: {  	_ =	sfence.sel $0x180000  }
0xeb: {  	[bflag:$0x0] =	sbarrier.arrive $0xFFFF  }
0xec: {  	_ =	strace $0x90000047  }
0xed: {  	s0 =	sadd.s32 @!p0 $0x100000, s0;
	[bflag:$0x2] =	sbarrier.arrive $0xFFFF  }
0xee: {  	[sflag:s0] =	ssyncadd.tile.s32 @!p0 $0x1;
	_ =	shalt  }
.Lfunc_end2:
_tile_overlayer_lowered:
.L_overlay_start_2:
0xef: {  	(tag) =	ssettag $0x2  }
0xf0: {  	s0 =	rddreg [dreg:$0x0];
	s2 =	stileid.u32  }
0xf1: {  	s1 =	rddreg [dreg:$0x1];
	p0 =	sne.s32 s2, $0x0  }
0xf2: {  	s3 =	rddreg [dreg:$0x2];
	[bflag:$0x3] =	sbarrier.arrive $0xFFFF;
	s2 =	simm.s32 @!p0 $0x1C01  }
0xf3: {  	[timem:s3], [sflag:s2] =	dma.local @!p0 [hbm:s0], s1  }
0xf4: {  	s0 =	simm.s32 @!p0 $0x1  }
0xf5: {  	_ =	swait.ge @!p0 [sflag:s0], s1  }
0xf6: {  	s1 =	ssub.s32 @!p0 $0x0, s1;
	[sflag:s0] =	ssyncset.done @!p0 $0x0  }
0xf7: {  	[sflag:s0] =	ssyncadd.s32 @!p0 s1  }
0xf8: {  	[bflag:$0x3] =	sbarrier.arrive $0xFFFF  }
0xf9: {  	_ =	shalt  }

</sc_bundles>
